<compile_context>
chip_gen: v7x
topology: tpu7x:2x2x1
jax: 0.10.2.dev20260603
libtpu: 0.0.44.dev20260713+nightly
codegen_flags: <defaults>
</compile_context>

<pallas_src>
import functools

import jax
import jax.numpy as jnp
from jax import lax
from jax.experimental import pallas as pl
from jax.experimental.pallas import tpu as pltpu
from jax.experimental.pallas import tpu_sc as plsc

NC, NS = 2, 16
NW = NC * NS
LANES = 16


def _make_kernel(N, D, Dp, C):
    nchunk = N // (NW * C)
    mesh = plsc.VectorSubcoreMesh(
        core_axis_name="c", subcore_axis_name="s",
        num_cores=NC, num_subcores=NS)

    starts = list(range(0, D - LANES + 1, LANES))
    if D % LANES:
        starts.append(D - LANES)

    @functools.partial(
        pl.kernel,
        out_type=jax.ShapeDtypeStruct((N, D), jnp.float32),
        mesh=mesh,
        compiler_params=pltpu.CompilerParams(use_tc_tiling_on_sc=False),
        scratch_types=(
            [pltpu.VMEM((nchunk, C), jnp.int32) for _ in range(6)]
            + [pltpu.VMEM((C, Dp), jnp.float32) for _ in range(6)]
            + [pltpu.VMEM((C, D), jnp.float32)]
            + [pltpu.SemaphoreType.DMA]
        ),
    )
    def k(tok_i, pos_i, seg_i, col_i, row_i, rank_i,
          word_t, pos_t, seg_t, col_t, row_t, rank_t,
          out_hbm,
          tok_v, pos_v, seg_v, col_v, row_v, rank_v,
          bw, bp, bs, bc, br, brk, bo,
          sem):
        wid = lax.axis_index("s") * NC + lax.axis_index("c")
        base = wid * (nchunk * C)

        idx_pairs = ((tok_i, tok_v), (pos_i, pos_v), (seg_i, seg_v),
                     (col_i, col_v), (row_i, row_v), (rank_i, rank_v))
        cps = [pltpu.async_copy(src.at[wid], dst, sem)
               for src, dst in idx_pairs]
        for cp in cps:
            cp.wait()

        tables = (word_t, pos_t, seg_t, col_t, row_t, rank_t)
        idxs = (tok_v, pos_v, seg_v, col_v, row_v, rank_v)
        bufs = (bw, bp, bs, bc, br, brk)

        def chunk_body(j, carry):
            gcps = [pltpu.async_copy(tbl.at[iv.at[j]], buf, sem)
                    for tbl, iv, buf in zip(tables, idxs, bufs)]
            for cp in gcps:
                cp.wait()

            def row_body(r, carry2):
                for st in starts:
                    sl = pl.ds(st, LANES)
                    bo[r, sl] = (((((bw[r, sl] + bp[r, sl]) + bs[r, sl])
                                   + bc[r, sl]) + br[r, sl]) + brk[r, sl])
                return carry2

            lax.fori_loop(0, C, row_body, 0)
            pltpu.sync_copy(bo, out_hbm.at[pl.ds(base + j * C, C)])
            return carry

        lax.fori_loop(0, nchunk, chunk_body, 0)

    return k


def kernel(token_ids, seg_ids, col_ids, row_ids, rank_ids,
           word_table, pos, seg_id, col_id, row_id, rank_id):
    B, L = token_ids.shape
    D = word_table.shape[1]
    N = B * L
    C = 40
    assert N % (NW * C) == 0
    nchunk = N // (NW * C)

    Dp = (D + LANES - 1) // LANES * LANES

    def pad_t(t):
        return jnp.pad(t, ((0, 0), (0, Dp - t.shape[1])))

    pos_ids = lax.broadcasted_iota(jnp.int32, (B, L), 1)

    def shape_idx(a):
        return a.reshape(NW, nchunk, C)

    out = _make_kernel(N, D, Dp, C)(
        shape_idx(token_ids), shape_idx(pos_ids), shape_idx(seg_ids),
        shape_idx(col_ids), shape_idx(row_ids), shape_idx(rank_ids),
        pad_t(word_table), pad_t(pos), pad_t(seg_id),
        pad_t(col_id), pad_t(row_id), pad_t(rank_id))
    return out.reshape(B, L, D)

# --- scband reference (transcript-rebuilt; emitter-appended) ---
"""Pipeline reference for scband-flatten-13563506720955 (READ-ONLY COPY).

The authoritative reference and input builder live on the scoring server;
editing this copy changes nothing except your own understanding.
"""

import jax, jax.numpy as jnp
import numpy as np

B, L, V, D = 1024, 200, 100000, 300

def setup_inputs(seed: int = 0) -> dict:
    key = jax.random.key(seed)
    ks = jax.random.split(key, 11)
    return {
        "token_ids": jax.random.randint(ks[0], (B, L), 0, V, dtype=jnp.int32),
        "seg_ids": jax.random.randint(ks[1], (B, L), 0, 2, dtype=jnp.int32),
        "col_ids": jax.random.randint(ks[2], (B, L), 0, L, dtype=jnp.int32),
        "row_ids": jax.random.randint(ks[3], (B, L), 0, L, dtype=jnp.int32),
        "rank_ids": jax.random.randint(ks[4], (B, L), 0, L, dtype=jnp.int32),
        "word_table": jax.random.normal(ks[5], (V, D), dtype=jnp.float32),
        "pos": jax.random.normal(ks[6], (L, D), dtype=jnp.float32),
        "seg_id": jax.random.normal(ks[7], (2, D), dtype=jnp.float32),
        "col_id": jax.random.normal(ks[8], (L, D), dtype=jnp.float32),
        "row_id": jax.random.normal(ks[9], (L, D), dtype=jnp.float32),
        "rank_id": jax.random.normal(ks[10], (L, D), dtype=jnp.float32),
    }

def reference(token_ids, seg_ids, col_ids, row_ids, rank_ids,
              word_table, pos, seg_id, col_id, row_id, rank_id):
    # Faithful core of Flatten.forward: every emitted token embedding is the
    # word2vec vector plus pos/seg/col/row/rank embedding lookups, summed.
    tok = jnp.take(word_table, token_ids, axis=0)            # [B, L, D] word2vec lookup
    p = pos[None, :, :]                                      # positions are 0..L-1 per sequence
    s = jnp.take(seg_id, seg_ids, axis=0)                    # [B, L, D]
    c = jnp.take(col_id, col_ids, axis=0)                    # [B, L, D]
    r = jnp.take(row_id, row_ids, axis=0)                    # [B, L, D]
    rk = jnp.take(rank_id, rank_ids, axis=0)                 # [B, L, D]
    return tok + p + s + c + r + rk

if __name__ == "__main__":
    import jax
    _d = setup_inputs()
    print(jax.jit(kernel)(*tuple(_d.values())))

</pallas_src>

<mosaic_0001>
#map = affine_map<(d0, d1) -> (0, 0, 0)>
#map1 = affine_map<(d0, d1) -> (0, 0)>
module attributes {stable_mosaic.version = 14 : i64} {
  func.func @k(%arg0: i32, %arg1: i32, %arg2: memref<32x160x40xi32, #tpu.memory_space<hbm>>, %arg3: memref<32x160x40xi32, #tpu.memory_space<hbm>>, %arg4: memref<32x160x40xi32, #tpu.memory_space<hbm>>, %arg5: memref<32x160x40xi32, #tpu.memory_space<hbm>>, %arg6: memref<32x160x40xi32, #tpu.memory_space<hbm>>, %arg7: memref<32x160x40xi32, #tpu.memory_space<hbm>>, %arg8: memref<100000x304xf32, #tpu.memory_space<hbm>>, %arg9: memref<200x304xf32, #tpu.memory_space<hbm>>, %arg10: memref<2x304xf32, #tpu.memory_space<hbm>>, %arg11: memref<200x304xf32, #tpu.memory_space<hbm>>, %arg12: memref<200x304xf32, #tpu.memory_space<hbm>>, %arg13: memref<200x304xf32, #tpu.memory_space<hbm>>, %arg14: memref<204800x300xf32, #tpu.memory_space<hbm>>, %arg15: memref<160x40xi32, #tpu.memory_space<vmem>>, %arg16: memref<160x40xi32, #tpu.memory_space<vmem>>, %arg17: memref<160x40xi32, #tpu.memory_space<vmem>>, %arg18: memref<160x40xi32, #tpu.memory_space<vmem>>, %arg19: memref<160x40xi32, #tpu.memory_space<vmem>>, %arg20: memref<160x40xi32, #tpu.memory_space<vmem>>, %arg21: memref<40x304xf32, #tpu.memory_space<vmem>>, %arg22: memref<40x304xf32, #tpu.memory_space<vmem>>, %arg23: memref<40x304xf32, #tpu.memory_space<vmem>>, %arg24: memref<40x304xf32, #tpu.memory_space<vmem>>, %arg25: memref<40x304xf32, #tpu.memory_space<vmem>>, %arg26: memref<40x304xf32, #tpu.memory_space<vmem>>, %arg27: memref<40x300xf32, #tpu.memory_space<vmem>>, %arg28: memref<!tpu.dma_semaphore, #tpu.memory_space<semaphore_mem>>) attributes {dimension_semantics = [#tpu.dimension_semantics<core_parallel>, #tpu.dimension_semantics<subcore_parallel>], iteration_bounds = array<i64: 2, 16>, scalar_prefetch = 0 : i64, scratch_operands = 14 : i64, tpu.core_type = #tpu.core_type<sc_vector_subcore>, window_params = [{transform_indices = #map}, {transform_indices = #map}, {transform_indices = #map}, {transform_indices = #map}, {transform_indices = #map}, {transform_indices = #map}, {transform_indices = #map1}, {transform_indices = #map1}, {transform_indices = #map1}, {transform_indices = #map1}, {transform_indices = #map1}, {transform_indices = #map1}, {transform_indices = #map1}]} {
    %mul3A = arith.constant 2 : i32
    %mul3A_0 = arith.muli %arg1, %mul3A : i32
    %add3A = arith.addi %mul3A_0, %arg0 : i32
    %mul3A_1 = arith.constant 6400 : i32
    %mul3A_2 = arith.muli %add3A, %mul3A_1 : i32
    %dma_start3A = arith.constant 0 : i32
    %dma_start3A_3 = arith.constant 0 : i32
    %dma_start3A_4 = tpu.memref_slice %arg2[%add3A, %dma_start3A, %dma_start3A_3] : memref<32x160x40xi32, #tpu.memory_space<hbm>> -> memref<1x160x40xi32, #tpu.memory_space<hbm>>
    %dma_start3A_5 = tpu.memref_squeeze %dma_start3A_4 : memref<1x160x40xi32, #tpu.memory_space<hbm>> -> memref<160x40xi32, #tpu.memory_space<hbm>>
    %dma_start3A_6 = arith.constant 0 : i32
    %dma_start3A_7 = arith.constant 0 : i32
    %dma_start3A_8 = tpu.memref_slice %arg2[%add3A, %dma_start3A_6, %dma_start3A_7] : memref<32x160x40xi32, #tpu.memory_space<hbm>> -> memref<1x160x40xi32, #tpu.memory_space<hbm>>
    %dma_start3A_9 = tpu.memref_squeeze %dma_start3A_8 : memref<1x160x40xi32, #tpu.memory_space<hbm>> -> memref<160x40xi32, #tpu.memory_space<hbm>>
    tpu.enqueue_dma source(%dma_start3A_9 : memref<160x40xi32, #tpu.memory_space<hbm>>) target(%arg15 : memref<160x40xi32, #tpu.memory_space<vmem>>) target_semaphore(%arg28 : memref<!tpu.dma_semaphore, #tpu.memory_space<semaphore_mem>>)
    %dma_start3A_10 = arith.constant 0 : i32
    %dma_start3A_11 = arith.constant 0 : i32
    %dma_start3A_12 = tpu.memref_slice %arg3[%add3A, %dma_start3A_10, %dma_start3A_11] : memref<32x160x40xi32, #tpu.memory_space<hbm>> -> memref<1x160x40xi32, #tpu.memory_space<hbm>>
    %dma_start3A_13 = tpu.memref_squeeze %dma_start3A_12 : memref<1x160x40xi32, #tpu.memory_space<hbm>> -> memref<160x40xi32, #tpu.memory_space<hbm>>
    %dma_start3A_14 = arith.constant 0 : i32
    %dma_start3A_15 = arith.constant 0 : i32
    %dma_start3A_16 = tpu.memref_slice %arg3[%add3A, %dma_start3A_14, %dma_start3A_15] : memref<32x160x40xi32, #tpu.memory_space<hbm>> -> memref<1x160x40xi32, #tpu.memory_space<hbm>>
    %dma_start3A_17 = tpu.memref_squeeze %dma_start3A_16 : memref<1x160x40xi32, #tpu.memory_space<hbm>> -> memref<160x40xi32, #tpu.memory_space<hbm>>
    tpu.enqueue_dma source(%dma_start3A_17 : memref<160x40xi32, #tpu.memory_space<hbm>>) target(%arg16 : memref<160x40xi32, #tpu.memory_space<vmem>>) target_semaphore(%arg28 : memref<!tpu.dma_semaphore, #tpu.memory_space<semaphore_mem>>)
    %dma_start3A_18 = arith.constant 0 : i32
    %dma_start3A_19 = arith.constant 0 : i32
    %dma_start3A_20 = tpu.memref_slice %arg4[%add3A, %dma_start3A_18, %dma_start3A_19] : memref<32x160x40xi32, #tpu.memory_space<hbm>> -> memref<1x160x40xi32, #tpu.memory_space<hbm>>
    %dma_start3A_21 = tpu.memref_squeeze %dma_start3A_20 : memref<1x160x40xi32, #tpu.memory_space<hbm>> -> memref<160x40xi32, #tpu.memory_space<hbm>>
    %dma_start3A_22 = arith.constant 0 : i32
    %dma_start3A_23 = arith.constant 0 : i32
    %dma_start3A_24 = tpu.memref_slice %arg4[%add3A, %dma_start3A_22, %dma_start3A_23] : memref<32x160x40xi32, #tpu.memory_space<hbm>> -> memref<1x160x40xi32, #tpu.memory_space<hbm>>
    %dma_start3A_25 = tpu.memref_squeeze %dma_start3A_24 : memref<1x160x40xi32, #tpu.memory_space<hbm>> -> memref<160x40xi32, #tpu.memory_space<hbm>>
    tpu.enqueue_dma source(%dma_start3A_25 : memref<160x40xi32, #tpu.memory_space<hbm>>) target(%arg17 : memref<160x40xi32, #tpu.memory_space<vmem>>) target_semaphore(%arg28 : memref<!tpu.dma_semaphore, #tpu.memory_space<semaphore_mem>>)
    %dma_start3A_26 = arith.constant 0 : i32
    %dma_start3A_27 = arith.constant 0 : i32
    %dma_start3A_28 = tpu.memref_slice %arg5[%add3A, %dma_start3A_26, %dma_start3A_27] : memref<32x160x40xi32, #tpu.memory_space<hbm>> -> memref<1x160x40xi32, #tpu.memory_space<hbm>>
    %dma_start3A_29 = tpu.memref_squeeze %dma_start3A_28 : memref<1x160x40xi32, #tpu.memory_space<hbm>> -> memref<160x40xi32, #tpu.memory_space<hbm>>
    %dma_start3A_30 = arith.constant 0 : i32
    %dma_start3A_31 = arith.constant 0 : i32
    %dma_start3A_32 = tpu.memref_slice %arg5[%add3A, %dma_start3A_30, %dma_start3A_31] : memref<32x160x40xi32, #tpu.memory_space<hbm>> -> memref<1x160x40xi32, #tpu.memory_space<hbm>>
    %dma_start3A_33 = tpu.memref_squeeze %dma_start3A_32 : memref<1x160x40xi32, #tpu.memory_space<hbm>> -> memref<160x40xi32, #tpu.memory_space<hbm>>
    tpu.enqueue_dma source(%dma_start3A_33 : memref<160x40xi32, #tpu.memory_space<hbm>>) target(%arg18 : memref<160x40xi32, #tpu.memory_space<vmem>>) target_semaphore(%arg28 : memref<!tpu.dma_semaphore, #tpu.memory_space<semaphore_mem>>)
    %dma_start3A_34 = arith.constant 0 : i32
    %dma_start3A_35 = arith.constant 0 : i32
    %dma_start3A_36 = tpu.memref_slice %arg6[%add3A, %dma_start3A_34, %dma_start3A_35] : memref<32x160x40xi32, #tpu.memory_space<hbm>> -> memref<1x160x40xi32, #tpu.memory_space<hbm>>
    %dma_start3A_37 = tpu.memref_squeeze %dma_start3A_36 : memref<1x160x40xi32, #tpu.memory_space<hbm>> -> memref<160x40xi32, #tpu.memory_space<hbm>>
    %dma_start3A_38 = arith.constant 0 : i32
    %dma_start3A_39 = arith.constant 0 : i32
    %dma_start3A_40 = tpu.memref_slice %arg6[%add3A, %dma_start3A_38, %dma_start3A_39] : memref<32x160x40xi32, #tpu.memory_space<hbm>> -> memref<1x160x40xi32, #tpu.memory_space<hbm>>
    %dma_start3A_41 = tpu.memref_squeeze %dma_start3A_40 : memref<1x160x40xi32, #tpu.memory_space<hbm>> -> memref<160x40xi32, #tpu.memory_space<hbm>>
    tpu.enqueue_dma source(%dma_start3A_41 : memref<160x40xi32, #tpu.memory_space<hbm>>) target(%arg19 : memref<160x40xi32, #tpu.memory_space<vmem>>) target_semaphore(%arg28 : memref<!tpu.dma_semaphore, #tpu.memory_space<semaphore_mem>>)
    %dma_start3A_42 = arith.constant 0 : i32
    %dma_start3A_43 = arith.constant 0 : i32
    %dma_start3A_44 = tpu.memref_slice %arg7[%add3A, %dma_start3A_42, %dma_start3A_43] : memref<32x160x40xi32, #tpu.memory_space<hbm>> -> memref<1x160x40xi32, #tpu.memory_space<hbm>>
    %dma_start3A_45 = tpu.memref_squeeze %dma_start3A_44 : memref<1x160x40xi32, #tpu.memory_space<hbm>> -> memref<160x40xi32, #tpu.memory_space<hbm>>
    %dma_start3A_46 = arith.constant 0 : i32
    %dma_start3A_47 = arith.constant 0 : i32
    %dma_start3A_48 = tpu.memref_slice %arg7[%add3A, %dma_start3A_46, %dma_start3A_47] : memref<32x160x40xi32, #tpu.memory_space<hbm>> -> memref<1x160x40xi32, #tpu.memory_space<hbm>>
    %dma_start3A_49 = tpu.memref_squeeze %dma_start3A_48 : memref<1x160x40xi32, #tpu.memory_space<hbm>> -> memref<160x40xi32, #tpu.memory_space<hbm>>
    tpu.enqueue_dma source(%dma_start3A_49 : memref<160x40xi32, #tpu.memory_space<hbm>>) target(%arg20 : memref<160x40xi32, #tpu.memory_space<vmem>>) target_semaphore(%arg28 : memref<!tpu.dma_semaphore, #tpu.memory_space<semaphore_mem>>)
    %dma_wait3A = arith.constant 0 : i32
    %dma_wait3A_50 = arith.constant 0 : i32
    %dma_wait3A_51 = tpu.memref_slice %arg2[%add3A, %dma_wait3A, %dma_wait3A_50] : memref<32x160x40xi32, #tpu.memory_space<hbm>> -> memref<1x160x40xi32, #tpu.memory_space<hbm>>
    %dma_wait3A_52 = tpu.memref_squeeze %dma_wait3A_51 : memref<1x160x40xi32, #tpu.memory_space<hbm>> -> memref<160x40xi32, #tpu.memory_space<hbm>>
    %dma_wait3A_53 = arith.constant 0 : i32
    %dma_wait3A_54 = arith.constant 0 : i32
    %dma_wait3A_55 = tpu.memref_slice %arg2[%add3A, %dma_wait3A_53, %dma_wait3A_54] : memref<32x160x40xi32, #tpu.memory_space<hbm>> -> memref<1x160x40xi32, #tpu.memory_space<hbm>>
    %dma_wait3A_56 = tpu.memref_squeeze %dma_wait3A_55 : memref<1x160x40xi32, #tpu.memory_space<hbm>> -> memref<160x40xi32, #tpu.memory_space<hbm>>
    tpu.wait_dma2 semaphore(%arg28 : memref<!tpu.dma_semaphore, #tpu.memory_space<semaphore_mem>>) src(%dma_wait3A_56 : memref<160x40xi32, #tpu.memory_space<hbm>>) dst(%arg15 : memref<160x40xi32, #tpu.memory_space<vmem>>)
    %dma_wait3A_57 = arith.constant 0 : i32
    %dma_wait3A_58 = arith.constant 0 : i32
    %dma_wait3A_59 = tpu.memref_slice %arg3[%add3A, %dma_wait3A_57, %dma_wait3A_58] : memref<32x160x40xi32, #tpu.memory_space<hbm>> -> memref<1x160x40xi32, #tpu.memory_space<hbm>>
    %dma_wait3A_60 = tpu.memref_squeeze %dma_wait3A_59 : memref<1x160x40xi32, #tpu.memory_space<hbm>> -> memref<160x40xi32, #tpu.memory_space<hbm>>
    %dma_wait3A_61 = arith.constant 0 : i32
    %dma_wait3A_62 = arith.constant 0 : i32
    %dma_wait3A_63 = tpu.memref_slice %arg3[%add3A, %dma_wait3A_61, %dma_wait3A_62] : memref<32x160x40xi32, #tpu.memory_space<hbm>> -> memref<1x160x40xi32, #tpu.memory_space<hbm>>
    %dma_wait3A_64 = tpu.memref_squeeze %dma_wait3A_63 : memref<1x160x40xi32, #tpu.memory_space<hbm>> -> memref<160x40xi32, #tpu.memory_space<hbm>>
    tpu.wait_dma2 semaphore(%arg28 : memref<!tpu.dma_semaphore, #tpu.memory_space<semaphore_mem>>) src(%dma_wait3A_64 : memref<160x40xi32, #tpu.memory_space<hbm>>) dst(%arg16 : memref<160x40xi32, #tpu.memory_space<vmem>>)
    %dma_wait3A_65 = arith.constant 0 : i32
    %dma_wait3A_66 = arith.constant 0 : i32
    %dma_wait3A_67 = tpu.memref_slice %arg4[%add3A, %dma_wait3A_65, %dma_wait3A_66] : memref<32x160x40xi32, #tpu.memory_space<hbm>> -> memref<1x160x40xi32, #tpu.memory_space<hbm>>
    %dma_wait3A_68 = tpu.memref_squeeze %dma_wait3A_67 : memref<1x160x40xi32, #tpu.memory_space<hbm>> -> memref<160x40xi32, #tpu.memory_space<hbm>>
    %dma_wait3A_69 = arith.constant 0 : i32
    %dma_wait3A_70 = arith.constant 0 : i32
    %dma_wait3A_71 = tpu.memref_slice %arg4[%add3A, %dma_wait3A_69, %dma_wait3A_70] : memref<32x160x40xi32, #tpu.memory_space<hbm>> -> memref<1x160x40xi32, #tpu.memory_space<hbm>>
    %dma_wait3A_72 = tpu.memref_squeeze %dma_wait3A_71 : memref<1x160x40xi32, #tpu.memory_space<hbm>> -> memref<160x40xi32, #tpu.memory_space<hbm>>
    tpu.wait_dma2 semaphore(%arg28 : memref<!tpu.dma_semaphore, #tpu.memory_space<semaphore_mem>>) src(%dma_wait3A_72 : memref<160x40xi32, #tpu.memory_space<hbm>>) dst(%arg17 : memref<160x40xi32, #tpu.memory_space<vmem>>)
    %dma_wait3A_73 = arith.constant 0 : i32
    %dma_wait3A_74 = arith.constant 0 : i32
    %dma_wait3A_75 = tpu.memref_slice %arg5[%add3A, %dma_wait3A_73, %dma_wait3A_74] : memref<32x160x40xi32, #tpu.memory_space<hbm>> -> memref<1x160x40xi32, #tpu.memory_space<hbm>>
    %dma_wait3A_76 = tpu.memref_squeeze %dma_wait3A_75 : memref<1x160x40xi32, #tpu.memory_space<hbm>> -> memref<160x40xi32, #tpu.memory_space<hbm>>
    %dma_wait3A_77 = arith.constant 0 : i32
    %dma_wait3A_78 = arith.constant 0 : i32
    %dma_wait3A_79 = tpu.memref_slice %arg5[%add3A, %dma_wait3A_77, %dma_wait3A_78] : memref<32x160x40xi32, #tpu.memory_space<hbm>> -> memref<1x160x40xi32, #tpu.memory_space<hbm>>
    %dma_wait3A_80 = tpu.memref_squeeze %dma_wait3A_79 : memref<1x160x40xi32, #tpu.memory_space<hbm>> -> memref<160x40xi32, #tpu.memory_space<hbm>>
    tpu.wait_dma2 semaphore(%arg28 : memref<!tpu.dma_semaphore, #tpu.memory_space<semaphore_mem>>) src(%dma_wait3A_80 : memref<160x40xi32, #tpu.memory_space<hbm>>) dst(%arg18 : memref<160x40xi32, #tpu.memory_space<vmem>>)
    %dma_wait3A_81 = arith.constant 0 : i32
    %dma_wait3A_82 = arith.constant 0 : i32
    %dma_wait3A_83 = tpu.memref_slice %arg6[%add3A, %dma_wait3A_81, %dma_wait3A_82] : memref<32x160x40xi32, #tpu.memory_space<hbm>> -> memref<1x160x40xi32, #tpu.memory_space<hbm>>
    %dma_wait3A_84 = tpu.memref_squeeze %dma_wait3A_83 : memref<1x160x40xi32, #tpu.memory_space<hbm>> -> memref<160x40xi32, #tpu.memory_space<hbm>>
    %dma_wait3A_85 = arith.constant 0 : i32
    %dma_wait3A_86 = arith.constant 0 : i32
    %dma_wait3A_87 = tpu.memref_slice %arg6[%add3A, %dma_wait3A_85, %dma_wait3A_86] : memref<32x160x40xi32, #tpu.memory_space<hbm>> -> memref<1x160x40xi32, #tpu.memory_space<hbm>>
    %dma_wait3A_88 = tpu.memref_squeeze %dma_wait3A_87 : memref<1x160x40xi32, #tpu.memory_space<hbm>> -> memref<160x40xi32, #tpu.memory_space<hbm>>
    tpu.wait_dma2 semaphore(%arg28 : memref<!tpu.dma_semaphore, #tpu.memory_space<semaphore_mem>>) src(%dma_wait3A_88 : memref<160x40xi32, #tpu.memory_space<hbm>>) dst(%arg19 : memref<160x40xi32, #tpu.memory_space<vmem>>)
    %dma_wait3A_89 = arith.constant 0 : i32
    %dma_wait3A_90 = arith.constant 0 : i32
    %dma_wait3A_91 = tpu.memref_slice %arg7[%add3A, %dma_wait3A_89, %dma_wait3A_90] : memref<32x160x40xi32, #tpu.memory_space<hbm>> -> memref<1x160x40xi32, #tpu.memory_space<hbm>>
    %dma_wait3A_92 = tpu.memref_squeeze %dma_wait3A_91 : memref<1x160x40xi32, #tpu.memory_space<hbm>> -> memref<160x40xi32, #tpu.memory_space<hbm>>
    %dma_wait3A_93 = arith.constant 0 : i32
    %dma_wait3A_94 = arith.constant 0 : i32
    %dma_wait3A_95 = tpu.memref_slice %arg7[%add3A, %dma_wait3A_93, %dma_wait3A_94] : memref<32x160x40xi32, #tpu.memory_space<hbm>> -> memref<1x160x40xi32, #tpu.memory_space<hbm>>
    %dma_wait3A_96 = tpu.memref_squeeze %dma_wait3A_95 : memref<1x160x40xi32, #tpu.memory_space<hbm>> -> memref<160x40xi32, #tpu.memory_space<hbm>>
    tpu.wait_dma2 semaphore(%arg28 : memref<!tpu.dma_semaphore, #tpu.memory_space<semaphore_mem>>) src(%dma_wait3A_96 : memref<160x40xi32, #tpu.memory_space<hbm>>) dst(%arg20 : memref<160x40xi32, #tpu.memory_space<vmem>>)
    %scan3A = arith.constant 0 : i32
    %scan3A_97 = arith.constant 0 : i32
    %scan3A_98 = arith.constant 160 : i32
    %scan3A_99 = arith.addi %scan3A_97, %scan3A_98 : i32
    %scan3A_100 = arith.constant 1 : i32
    scf.for %scan3A_102 = %scan3A_97 to %scan3A_99 step %scan3A_100  : i32 {
      %dma_start3A_103 = arith.constant 0 : i32
      %dma_start3A_104 = tpu.memref_slice %arg15[%scan3A_102, %dma_start3A_103] : memref<160x40xi32, #tpu.memory_space<vmem>> -> memref<1x40xi32, #tpu.memory_space<vmem>>
      %dma_start3A_105 = tpu.memref_squeeze %dma_start3A_104 : memref<1x40xi32, #tpu.memory_space<vmem>> -> memref<40xi32, #tpu.memory_space<vmem>>
      %dma_start3A_106 = arith.constant 0 : i32
      %dma_start3A_107 = arith.constant 0 : i32
      %dma_start3A_108 = tpu.memref_slice %arg8[%dma_start3A_106, %dma_start3A_107] : memref<100000x304xf32, #tpu.memory_space<hbm>> -> memref<100000x304xf32, #tpu.memory_space<hbm>>
      tpu.enqueue_indirect_dma source(%dma_start3A_108 : memref<100000x304xf32, #tpu.memory_space<hbm>>) target(%arg21 : memref<40x304xf32, #tpu.memory_space<vmem>>) offsets(%dma_start3A_105 : memref<40xi32, #tpu.memory_space<vmem>>) semaphore(%arg28 : memref<!tpu.dma_semaphore, #tpu.memory_space<semaphore_mem>>)
      %dma_start3A_109 = arith.constant 0 : i32
      %dma_start3A_110 = tpu.memref_slice %arg16[%scan3A_102, %dma_start3A_109] : memref<160x40xi32, #tpu.memory_space<vmem>> -> memref<1x40xi32, #tpu.memory_space<vmem>>
      %dma_start3A_111 = tpu.memref_squeeze %dma_start3A_110 : memref<1x40xi32, #tpu.memory_space<vmem>> -> memref<40xi32, #tpu.memory_space<vmem>>
      %dma_start3A_112 = arith.constant 0 : i32
      %dma_start3A_113 = arith.constant 0 : i32
      %dma_start3A_114 = tpu.memref_slice %arg9[%dma_start3A_112, %dma_start3A_113] : memref<200x304xf32, #tpu.memory_space<hbm>> -> memref<200x304xf32, #tpu.memory_space<hbm>>
      tpu.enqueue_indirect_dma source(%dma_start3A_114 : memref<200x304xf32, #tpu.memory_space<hbm>>) target(%arg22 : memref<40x304xf32, #tpu.memory_space<vmem>>) offsets(%dma_start3A_111 : memref<40xi32, #tpu.memory_space<vmem>>) semaphore(%arg28 : memref<!tpu.dma_semaphore, #tpu.memory_space<semaphore_mem>>)
      %dma_start3A_115 = arith.constant 0 : i32
      %dma_start3A_116 = tpu.memref_slice %arg17[%scan3A_102, %dma_start3A_115] : memref<160x40xi32, #tpu.memory_space<vmem>> -> memref<1x40xi32, #tpu.memory_space<vmem>>
      %dma_start3A_117 = tpu.memref_squeeze %dma_start3A_116 : memref<1x40xi32, #tpu.memory_space<vmem>> -> memref<40xi32, #tpu.memory_space<vmem>>
      %dma_start3A_118 = arith.constant 0 : i32
      %dma_start3A_119 = arith.constant 0 : i32
      %dma_start3A_120 = tpu.memref_slice %arg10[%dma_start3A_118, %dma_start3A_119] : memref<2x304xf32, #tpu.memory_space<hbm>> -> memref<2x304xf32, #tpu.memory_space<hbm>>
      tpu.enqueue_indirect_dma source(%dma_start3A_120 : memref<2x304xf32, #tpu.memory_space<hbm>>) target(%arg23 : memref<40x304xf32, #tpu.memory_space<vmem>>) offsets(%dma_start3A_117 : memref<40xi32, #tpu.memory_space<vmem>>) semaphore(%arg28 : memref<!tpu.dma_semaphore, #tpu.memory_space<semaphore_mem>>)
      %dma_start3A_121 = arith.constant 0 : i32
      %dma_start3A_122 = tpu.memref_slice %arg18[%scan3A_102, %dma_start3A_121] : memref<160x40xi32, #tpu.memory_space<vmem>> -> memref<1x40xi32, #tpu.memory_space<vmem>>
      %dma_start3A_123 = tpu.memref_squeeze %dma_start3A_122 : memref<1x40xi32, #tpu.memory_space<vmem>> -> memref<40xi32, #tpu.memory_space<vmem>>
      %dma_start3A_124 = arith.constant 0 : i32
      %dma_start3A_125 = arith.constant 0 : i32
      %dma_start3A_126 = tpu.memref_slice %arg11[%dma_start3A_124, %dma_start3A_125] : memref<200x304xf32, #tpu.memory_space<hbm>> -> memref<200x304xf32, #tpu.memory_space<hbm>>
      tpu.enqueue_indirect_dma source(%dma_start3A_126 : memref<200x304xf32, #tpu.memory_space<hbm>>) target(%arg24 : memref<40x304xf32, #tpu.memory_space<vmem>>) offsets(%dma_start3A_123 : memref<40xi32, #tpu.memory_space<vmem>>) semaphore(%arg28 : memref<!tpu.dma_semaphore, #tpu.memory_space<semaphore_mem>>)
      %dma_start3A_127 = arith.constant 0 : i32
      %dma_start3A_128 = tpu.memref_slice %arg19[%scan3A_102, %dma_start3A_127] : memref<160x40xi32, #tpu.memory_space<vmem>> -> memref<1x40xi32, #tpu.memory_space<vmem>>
      %dma_start3A_129 = tpu.memref_squeeze %dma_start3A_128 : memref<1x40xi32, #tpu.memory_space<vmem>> -> memref<40xi32, #tpu.memory_space<vmem>>
      %dma_start3A_130 = arith.constant 0 : i32
      %dma_start3A_131 = arith.constant 0 : i32
      %dma_start3A_132 = tpu.memref_slice %arg12[%dma_start3A_130, %dma_start3A_131] : memref<200x304xf32, #tpu.memory_space<hbm>> -> memref<200x304xf32, #tpu.memory_space<hbm>>
      tpu.enqueue_indirect_dma source(%dma_start3A_132 : memref<200x304xf32, #tpu.memory_space<hbm>>) target(%arg25 : memref<40x304xf32, #tpu.memory_space<vmem>>) offsets(%dma_start3A_129 : memref<40xi32, #tpu.memory_space<vmem>>) semaphore(%arg28 : memref<!tpu.dma_semaphore, #tpu.memory_space<semaphore_mem>>)
      %dma_start3A_133 = arith.constant 0 : i32
      %dma_start3A_134 = tpu.memref_slice %arg20[%scan3A_102, %dma_start3A_133] : memref<160x40xi32, #tpu.memory_space<vmem>> -> memref<1x40xi32, #tpu.memory_space<vmem>>
      %dma_start3A_135 = tpu.memref_squeeze %dma_start3A_134 : memref<1x40xi32, #tpu.memory_space<vmem>> -> memref<40xi32, #tpu.memory_space<vmem>>
      %dma_start3A_136 = arith.constant 0 : i32
      %dma_start3A_137 = arith.constant 0 : i32
      %dma_start3A_138 = tpu.memref_slice %arg13[%dma_start3A_136, %dma_start3A_137] : memref<200x304xf32, #tpu.memory_space<hbm>> -> memref<200x304xf32, #tpu.memory_space<hbm>>
      tpu.enqueue_indirect_dma source(%dma_start3A_138 : memref<200x304xf32, #tpu.memory_space<hbm>>) target(%arg26 : memref<40x304xf32, #tpu.memory_space<vmem>>) offsets(%dma_start3A_135 : memref<40xi32, #tpu.memory_space<vmem>>) semaphore(%arg28 : memref<!tpu.dma_semaphore, #tpu.memory_space<semaphore_mem>>)
      %dma_wait3A_139 = arith.constant 0 : i32
      %dma_wait3A_140 = tpu.memref_slice %arg15[%scan3A_102, %dma_wait3A_139] : memref<160x40xi32, #tpu.memory_space<vmem>> -> memref<1x40xi32, #tpu.memory_space<vmem>>
      %dma_wait3A_141 = tpu.memref_squeeze %dma_wait3A_140 : memref<1x40xi32, #tpu.memory_space<vmem>> -> memref<40xi32, #tpu.memory_space<vmem>>
      %dma_wait3A_142 = arith.constant 0 : i32
      %dma_wait3A_143 = arith.constant 0 : i32
      %dma_wait3A_144 = tpu.memref_slice %arg8[%dma_wait3A_142, %dma_wait3A_143] : memref<100000x304xf32, #tpu.memory_space<hbm>> -> memref<100000x304xf32, #tpu.memory_space<hbm>>
      tpu.wait_indirect_dma semaphore(%arg28 : memref<!tpu.dma_semaphore, #tpu.memory_space<semaphore_mem>>) src(%dma_wait3A_144 : memref<100000x304xf32, #tpu.memory_space<hbm>>) dst(%arg21 : memref<40x304xf32, #tpu.memory_space<vmem>>)
      %dma_wait3A_145 = arith.constant 0 : i32
      %dma_wait3A_146 = tpu.memref_slice %arg16[%scan3A_102, %dma_wait3A_145] : memref<160x40xi32, #tpu.memory_space<vmem>> -> memref<1x40xi32, #tpu.memory_space<vmem>>
      %dma_wait3A_147 = tpu.memref_squeeze %dma_wait3A_146 : memref<1x40xi32, #tpu.memory_space<vmem>> -> memref<40xi32, #tpu.memory_space<vmem>>
      %dma_wait3A_148 = arith.constant 0 : i32
      %dma_wait3A_149 = arith.constant 0 : i32
      %dma_wait3A_150 = tpu.memref_slice %arg9[%dma_wait3A_148, %dma_wait3A_149] : memref<200x304xf32, #tpu.memory_space<hbm>> -> memref<200x304xf32, #tpu.memory_space<hbm>>
      tpu.wait_indirect_dma semaphore(%arg28 : memref<!tpu.dma_semaphore, #tpu.memory_space<semaphore_mem>>) src(%dma_wait3A_150 : memref<200x304xf32, #tpu.memory_space<hbm>>) dst(%arg22 : memref<40x304xf32, #tpu.memory_space<vmem>>)
      %dma_wait3A_151 = arith.constant 0 : i32
      %dma_wait3A_152 = tpu.memref_slice %arg17[%scan3A_102, %dma_wait3A_151] : memref<160x40xi32, #tpu.memory_space<vmem>> -> memref<1x40xi32, #tpu.memory_space<vmem>>
      %dma_wait3A_153 = tpu.memref_squeeze %dma_wait3A_152 : memref<1x40xi32, #tpu.memory_space<vmem>> -> memref<40xi32, #tpu.memory_space<vmem>>
      %dma_wait3A_154 = arith.constant 0 : i32
      %dma_wait3A_155 = arith.constant 0 : i32
      %dma_wait3A_156 = tpu.memref_slice %arg10[%dma_wait3A_154, %dma_wait3A_155] : memref<2x304xf32, #tpu.memory_space<hbm>> -> memref<2x304xf32, #tpu.memory_space<hbm>>
      tpu.wait_indirect_dma semaphore(%arg28 : memref<!tpu.dma_semaphore, #tpu.memory_space<semaphore_mem>>) src(%dma_wait3A_156 : memref<2x304xf32, #tpu.memory_space<hbm>>) dst(%arg23 : memref<40x304xf32, #tpu.memory_space<vmem>>)
      %dma_wait3A_157 = arith.constant 0 : i32
      %dma_wait3A_158 = tpu.memref_slice %arg18[%scan3A_102, %dma_wait3A_157] : memref<160x40xi32, #tpu.memory_space<vmem>> -> memref<1x40xi32, #tpu.memory_space<vmem>>
      %dma_wait3A_159 = tpu.memref_squeeze %dma_wait3A_158 : memref<1x40xi32, #tpu.memory_space<vmem>> -> memref<40xi32, #tpu.memory_space<vmem>>
      %dma_wait3A_160 = arith.constant 0 : i32
      %dma_wait3A_161 = arith.constant 0 : i32
      %dma_wait3A_162 = tpu.memref_slice %arg11[%dma_wait3A_160, %dma_wait3A_161] : memref<200x304xf32, #tpu.memory_space<hbm>> -> memref<200x304xf32, #tpu.memory_space<hbm>>
      tpu.wait_indirect_dma semaphore(%arg28 : memref<!tpu.dma_semaphore, #tpu.memory_space<semaphore_mem>>) src(%dma_wait3A_162 : memref<200x304xf32, #tpu.memory_space<hbm>>) dst(%arg24 : memref<40x304xf32, #tpu.memory_space<vmem>>)
      %dma_wait3A_163 = arith.constant 0 : i32
      %dma_wait3A_164 = tpu.memref_slice %arg19[%scan3A_102, %dma_wait3A_163] : memref<160x40xi32, #tpu.memory_space<vmem>> -> memref<1x40xi32, #tpu.memory_space<vmem>>
      %dma_wait3A_165 = tpu.memref_squeeze %dma_wait3A_164 : memref<1x40xi32, #tpu.memory_space<vmem>> -> memref<40xi32, #tpu.memory_space<vmem>>
      %dma_wait3A_166 = arith.constant 0 : i32
      %dma_wait3A_167 = arith.constant 0 : i32
      %dma_wait3A_168 = tpu.memref_slice %arg12[%dma_wait3A_166, %dma_wait3A_167] : memref<200x304xf32, #tpu.memory_space<hbm>> -> memref<200x304xf32, #tpu.memory_space<hbm>>
      tpu.wait_indirect_dma semaphore(%arg28 : memref<!tpu.dma_semaphore, #tpu.memory_space<semaphore_mem>>) src(%dma_wait3A_168 : memref<200x304xf32, #tpu.memory_space<hbm>>) dst(%arg25 : memref<40x304xf32, #tpu.memory_space<vmem>>)
      %dma_wait3A_169 = arith.constant 0 : i32
      %dma_wait3A_170 = tpu.memref_slice %arg20[%scan3A_102, %dma_wait3A_169] : memref<160x40xi32, #tpu.memory_space<vmem>> -> memref<1x40xi32, #tpu.memory_space<vmem>>
      %dma_wait3A_171 = tpu.memref_squeeze %dma_wait3A_170 : memref<1x40xi32, #tpu.memory_space<vmem>> -> memref<40xi32, #tpu.memory_space<vmem>>
      %dma_wait3A_172 = arith.constant 0 : i32
      %dma_wait3A_173 = arith.constant 0 : i32
      %dma_wait3A_174 = tpu.memref_slice %arg13[%dma_wait3A_172, %dma_wait3A_173] : memref<200x304xf32, #tpu.memory_space<hbm>> -> memref<200x304xf32, #tpu.memory_space<hbm>>
      tpu.wait_indirect_dma semaphore(%arg28 : memref<!tpu.dma_semaphore, #tpu.memory_space<semaphore_mem>>) src(%dma_wait3A_174 : memref<200x304xf32, #tpu.memory_space<hbm>>) dst(%arg26 : memref<40x304xf32, #tpu.memory_space<vmem>>)
      %scan3A_175 = arith.constant 0 : i32
      %scan3A_176 = arith.constant 0 : i32
      %scan3A_177 = arith.constant 40 : i32
      %scan3A_178 = arith.addi %scan3A_176, %scan3A_177 : i32
      %scan3A_179 = arith.constant 1 : i32
      scf.for %scan3A_184 = %scan3A_176 to %scan3A_178 step %scan3A_179  : i32 {
        %get3A = arith.index_cast %scan3A_184 : i32 to index
        %get3A_185 = arith.constant 0 : index
        %get3A_186 = tpu.vector_load %arg21[%get3A, %get3A_185] {strides = array<i32>} : memref<40x304xf32, #tpu.memory_space<vmem>>, vector<1x16xf32>,
        %get3A_187 = vector.shape_cast %get3A_186 : vector<1x16xf32> to vector<16xf32>
        %get3A_188 = arith.index_cast %scan3A_184 : i32 to index
        %get3A_189 = arith.constant 0 : index
        %get3A_190 = tpu.vector_load %arg22[%get3A_188, %get3A_189] {strides = array<i32>} : memref<40x304xf32, #tpu.memory_space<vmem>>, vector<1x16xf32>,
        %get3A_191 = vector.shape_cast %get3A_190 : vector<1x16xf32> to vector<16xf32>
        %add3A_192 = arith.addf %get3A_187, %get3A_191 : vector<16xf32>
        %get3A_193 = arith.index_cast %scan3A_184 : i32 to index
        %get3A_194 = arith.constant 0 : index
        %get3A_195 = tpu.vector_load %arg23[%get3A_193, %get3A_194] {strides = array<i32>} : memref<40x304xf32, #tpu.memory_space<vmem>>, vector<1x16xf32>,
        %get3A_196 = vector.shape_cast %get3A_195 : vector<1x16xf32> to vector<16xf32>
        %add3A_197 = arith.addf %add3A_192, %get3A_196 : vector<16xf32>
        %get3A_198 = arith.index_cast %scan3A_184 : i32 to index
        %get3A_199 = arith.constant 0 : index
        %get3A_200 = tpu.vector_load %arg24[%get3A_198, %get3A_199] {strides = array<i32>} : memref<40x304xf32, #tpu.memory_space<vmem>>, vector<1x16xf32>,
        %get3A_201 = vector.shape_cast %get3A_200 : vector<1x16xf32> to vector<16xf32>
        %add3A_202 = arith.addf %add3A_197, %get3A_201 : vector<16xf32>
        %get3A_203 = arith.index_cast %scan3A_184 : i32 to index
        %get3A_204 = arith.constant 0 : index
        %get3A_205 = tpu.vector_load %arg25[%get3A_203, %get3A_204] {strides = array<i32>} : memref<40x304xf32, #tpu.memory_space<vmem>>, vector<1x16xf32>,
        %get3A_206 = vector.shape_cast %get3A_205 : vector<1x16xf32> to vector<16xf32>
        %add3A_207 = arith.addf %add3A_202, %get3A_206 : vector<16xf32>
        %get3A_208 = arith.index_cast %scan3A_184 : i32 to index
        %get3A_209 = arith.constant 0 : index
        %get3A_210 = tpu.vector_load %arg26[%get3A_208, %get3A_209] {strides = array<i32>} : memref<40x304xf32, #tpu.memory_space<vmem>>, vector<1x16xf32>,
        %get3A_211 = vector.shape_cast %get3A_210 : vector<1x16xf32> to vector<16xf32>
        %add3A_212 = arith.addf %add3A_207, %get3A_211 : vector<16xf32>
        %swap3A = arith.index_cast %scan3A_184 : i32 to index
        %swap3A_213 = arith.constant 0 : index
        %swap3A_214 = tpu.vector_load %arg27[%swap3A, %swap3A_213] {strides = array<i32>} : memref<40x300xf32, #tpu.memory_space<vmem>>, vector<1x16xf32>,
        %swap3A_215 = vector.shape_cast %swap3A_214 : vector<1x16xf32> to vector<16xf32>
        %swap3A_216 = vector.shape_cast %add3A_212 : vector<16xf32> to vector<1x16xf32>
        tpu.vector_store %arg27[%swap3A, %swap3A_213], %swap3A_216 {strides = array<i32>} : memref<40x300xf32, #tpu.memory_space<vmem>>, vector<1x16xf32>,
        %get3A_217 = arith.index_cast %scan3A_184 : i32 to index
        %get3A_218 = arith.constant 16 : index
        %get3A_219 = tpu.vector_load %arg21[%get3A_217, %get3A_218] {strides = array<i32>} : memref<40x304xf32, #tpu.memory_space<vmem>>, vector<1x16xf32>,
        %get3A_220 = vector.shape_cast %get3A_219 : vector<1x16xf32> to vector<16xf32>
        %get3A_221 = arith.index_cast %scan3A_184 : i32 to index
        %get3A_222 = arith.constant 16 : index
        %get3A_223 = tpu.vector_load %arg22[%get3A_221, %get3A_222] {strides = array<i32>} : memref<40x304xf32, #tpu.memory_space<vmem>>, vector<1x16xf32>,
        %get3A_224 = vector.shape_cast %get3A_223 : vector<1x16xf32> to vector<16xf32>
        %add3A_225 = arith.addf %get3A_220, %get3A_224 : vector<16xf32>
        %get3A_226 = arith.index_cast %scan3A_184 : i32 to index
        %get3A_227 = arith.constant 16 : index
        %get3A_228 = tpu.vector_load %arg23[%get3A_226, %get3A_227] {strides = array<i32>} : memref<40x304xf32, #tpu.memory_space<vmem>>, vector<1x16xf32>,
        %get3A_229 = vector.shape_cast %get3A_228 : vector<1x16xf32> to vector<16xf32>
        %add3A_230 = arith.addf %add3A_225, %get3A_229 : vector<16xf32>
        %get3A_231 = arith.index_cast %scan3A_184 : i32 to index
        %get3A_232 = arith.constant 16 : index
        %get3A_233 = tpu.vector_load %arg24[%get3A_231, %get3A_232] {strides = array<i32>} : memref<40x304xf32, #tpu.memory_space<vmem>>, vector<1x16xf32>,
        %get3A_234 = vector.shape_cast %get3A_233 : vector<1x16xf32> to vector<16xf32>
        %add3A_235 = arith.addf %add3A_230, %get3A_234 : vector<16xf32>
        %get3A_236 = arith.index_cast %scan3A_184 : i32 to index
        %get3A_237 = arith.constant 16 : index
        %get3A_238 = tpu.vector_load %arg25[%get3A_236, %get3A_237] {strides = array<i32>} : memref<40x304xf32, #tpu.memory_space<vmem>>, vector<1x16xf32>,
        %get3A_239 = vector.shape_cast %get3A_238 : vector<1x16xf32> to vector<16xf32>
        %add3A_240 = arith.addf %add3A_235, %get3A_239 : vector<16xf32>
        %get3A_241 = arith.index_cast %scan3A_184 : i32 to index
        %get3A_242 = arith.constant 16 : index
        %get3A_243 = tpu.vector_load %arg26[%get3A_241, %get3A_242] {strides = array<i32>} : memref<40x304xf32, #tpu.memory_space<vmem>>, vector<1x16xf32>,
        %get3A_244 = vector.shape_cast %get3A_243 : vector<1x16xf32> to vector<16xf32>
        %add3A_245 = arith.addf %add3A_240, %get3A_244 : vector<16xf32>
        %swap3A_246 = arith.index_cast %scan3A_184 : i32 to index
        %swap3A_247 = arith.constant 16 : index
        %swap3A_248 = tpu.vector_load %arg27[%swap3A_246, %swap3A_247] {strides = array<i32>} : memref<40x300xf32, #tpu.memory_space<vmem>>, vector<1x16xf32>,
        %swap3A_249 = vector.shape_cast %swap3A_248 : vector<1x16xf32> to vector<16xf32>
        %swap3A_250 = vector.shape_cast %add3A_245 : vector<16xf32> to vector<1x16xf32>
        tpu.vector_store %arg27[%swap3A_246, %swap3A_247], %swap3A_250 {strides = array<i32>} : memref<40x300xf32, #tpu.memory_space<vmem>>, vector<1x16xf32>,
        %get3A_251 = arith.index_cast %scan3A_184 : i32 to index
        %get3A_252 = arith.constant 32 : index
        %get3A_253 = tpu.vector_load %arg21[%get3A_251, %get3A_252] {strides = array<i32>} : memref<40x304xf32, #tpu.memory_space<vmem>>, vector<1x16xf32>,
        %get3A_254 = vector.shape_cast %get3A_253 : vector<1x16xf32> to vector<16xf32>
        %get3A_255 = arith.index_cast %scan3A_184 : i32 to index
        %get3A_256 = arith.constant 32 : index
        %get3A_257 = tpu.vector_load %arg22[%get3A_255, %get3A_256] {strides = array<i32>} : memref<40x304xf32, #tpu.memory_space<vmem>>, vector<1x16xf32>,
        %get3A_258 = vector.shape_cast %get3A_257 : vector<1x16xf32> to vector<16xf32>
        %add3A_259 = arith.addf %get3A_254, %get3A_258 : vector<16xf32>
        %get3A_260 = arith.index_cast %scan3A_184 : i32 to index
        %get3A_261 = arith.constant 32 : index
        %get3A_262 = tpu.vector_load %arg23[%get3A_260, %get3A_261] {strides = array<i32>} : memref<40x304xf32, #tpu.memory_space<vmem>>, vector<1x16xf32>,
        %get3A_263 = vector.shape_cast %get3A_262 : vector<1x16xf32> to vector<16xf32>
        %add3A_264 = arith.addf %add3A_259, %get3A_263 : vector<16xf32>
        %get3A_265 = arith.index_cast %scan3A_184 : i32 to index
        %get3A_266 = arith.constant 32 : index
        %get3A_267 = tpu.vector_load %arg24[%get3A_265, %get3A_266] {strides = array<i32>} : memref<40x304xf32, #tpu.memory_space<vmem>>, vector<1x16xf32>,
        %get3A_268 = vector.shape_cast %get3A_267 : vector<1x16xf32> to vector<16xf32>
        %add3A_269 = arith.addf %add3A_264, %get3A_268 : vector<16xf32>
        %get3A_270 = arith.index_cast %scan3A_184 : i32 to index
        %get3A_271 = arith.constant 32 : index
        %get3A_272 = tpu.vector_load %arg25[%get3A_270, %get3A_271] {strides = array<i32>} : memref<40x304xf32, #tpu.memory_space<vmem>>, vector<1x16xf32>,
        %get3A_273 = vector.shape_cast %get3A_272 : vector<1x16xf32> to vector<16xf32>
        %add3A_274 = arith.addf %add3A_269, %get3A_273 : vector<16xf32>
        %get3A_275 = arith.index_cast %scan3A_184 : i32 to index
        %get3A_276 = arith.constant 32 : index
        %get3A_277 = tpu.vector_load %arg26[%get3A_275, %get3A_276] {strides = array<i32>} : memref<40x304xf32, #tpu.memory_space<vmem>>, vector<1x16xf32>,
        %get3A_278 = vector.shape_cast %get3A_277 : vector<1x16xf32> to vector<16xf32>
        %add3A_279 = arith.addf %add3A_274, %get3A_278 : vector<16xf32>
        %swap3A_280 = arith.index_cast %scan3A_184 : i32 to index
        %swap3A_281 = arith.constant 32 : index
        %swap3A_282 = tpu.vector_load %arg27[%swap3A_280, %swap3A_281] {strides = array<i32>} : memref<40x300xf32, #tpu.memory_space<vmem>>, vector<1x16xf32>,
        %swap3A_283 = vector.shape_cast %swap3A_282 : vector<1x16xf32> to vector<16xf32>
        %swap3A_284 = vector.shape_cast %add3A_279 : vector<16xf32> to vector<1x16xf32>
        tpu.vector_store %arg27[%swap3A_280, %swap3A_281], %swap3A_284 {strides = array<i32>} : memref<40x300xf32, #tpu.memory_space<vmem>>, vector<1x16xf32>,
        %get3A_285 = arith.index_cast %scan3A_184 : i32 to index
        %get3A_286 = arith.constant 48 : index
        %get3A_287 = tpu.vector_load %arg21[%get3A_285, %get3A_286] {strides = array<i32>} : memref<40x304xf32, #tpu.memory_space<vmem>>, vector<1x16xf32>,
        %get3A_288 = vector.shape_cast %get3A_287 : vector<1x16xf32> to vector<16xf32>
        %get3A_289 = arith.index_cast %scan3A_184 : i32 to index
        %get3A_290 = arith.constant 48 : index
        %get3A_291 = tpu.vector_load %arg22[%get3A_289, %get3A_290] {strides = array<i32>} : memref<40x304xf32, #tpu.memory_space<vmem>>, vector<1x16xf32>,
        %get3A_292 = vector.shape_cast %get3A_291 : vector<1x16xf32> to vector<16xf32>
        %add3A_293 = arith.addf %get3A_288, %get3A_292 : vector<16xf32>
        %get3A_294 = arith.index_cast %scan3A_184 : i32 to index
        %get3A_295 = arith.constant 48 : index
        %get3A_296 = tpu.vector_load %arg23[%get3A_294, %get3A_295] {strides = array<i32>} : memref<40x304xf32, #tpu.memory_space<vmem>>, vector<1x16xf32>,
        %get3A_297 = vector.shape_cast %get3A_296 : vector<1x16xf32> to vector<16xf32>
        %add3A_298 = arith.addf %add3A_293, %get3A_297 : vector<16xf32>
        %get3A_299 = arith.index_cast %scan3A_184 : i32 to index
        %get3A_300 = arith.constant 48 : index
        %get3A_301 = tpu.vector_load %arg24[%get3A_299, %get3A_300] {strides = array<i32>} : memref<40x304xf32, #tpu.memory_space<vmem>>, vector<1x16xf32>,
        %get3A_302 = vector.shape_cast %get3A_301 : vector<1x16xf32> to vector<16xf32>
        %add3A_303 = arith.addf %add3A_298, %get3A_302 : vector<16xf32>
        %get3A_304 = arith.index_cast %scan3A_184 : i32 to index
        %get3A_305 = arith.constant 48 : index
        %get3A_306 = tpu.vector_load %arg25[%get3A_304, %get3A_305] {strides = array<i32>} : memref<40x304xf32, #tpu.memory_space<vmem>>, vector<1x16xf32>,
        %get3A_307 = vector.shape_cast %get3A_306 : vector<1x16xf32> to vector<16xf32>
        %add3A_308 = arith.addf %add3A_303, %get3A_307 : vector<16xf32>
        %get3A_309 = arith.index_cast %scan3A_184 : i32 to index
        %get3A_310 = arith.constant 48 : index
        %get3A_311 = tpu.vector_load %arg26[%get3A_309, %get3A_310] {strides = array<i32>} : memref<40x304xf32, #tpu.memory_space<vmem>>, vector<1x16xf32>,
        %get3A_312 = vector.shape_cast %get3A_311 : vector<1x16xf32> to vector<16xf32>
        %add3A_313 = arith.addf %add3A_308, %get3A_312 : vector<16xf32>
        %swap3A_314 = arith.index_cast %scan3A_184 : i32 to index
        %swap3A_315 = arith.constant 48 : index
        %swap3A_316 = tpu.vector_load %arg27[%swap3A_314, %swap3A_315] {strides = array<i32>} : memref<40x300xf32, #tpu.memory_space<vmem>>, vector<1x16xf32>,
        %swap3A_317 = vector.shape_cast %swap3A_316 : vector<1x16xf32> to vector<16xf32>
        %swap3A_318 = vector.shape_cast %add3A_313 : vector<16xf32> to vector<1x16xf32>
        tpu.vector_store %arg27[%swap3A_314, %swap3A_315], %swap3A_318 {strides = array<i32>} : memref<40x300xf32, #tpu.memory_space<vmem>>, vector<1x16xf32>,
        %get3A_319 = arith.index_cast %scan3A_184 : i32 to index
        %get3A_320 = arith.constant 64 : index
        %get3A_321 = tpu.vector_load %arg21[%get3A_319, %get3A_320] {strides = array<i32>} : memref<40x304xf32, #tpu.memory_space<vmem>>, vector<1x16xf32>,
        %get3A_322 = vector.shape_cast %get3A_321 : vector<1x16xf32> to vector<16xf32>
        %get3A_323 = arith.index_cast %scan3A_184 : i32 to index
        %get3A_324 = arith.constant 64 : index
        %get3A_325 = tpu.vector_load %arg22[%get3A_323, %get3A_324] {strides = array<i32>} : memref<40x304xf32, #tpu.memory_space<vmem>>, vector<1x16xf32>,
        %get3A_326 = vector.shape_cast %get3A_325 : vector<1x16xf32> to vector<16xf32>
        %add3A_327 = arith.addf %get3A_322, %get3A_326 : vector<16xf32>
        %get3A_328 = arith.index_cast %scan3A_184 : i32 to index
        %get3A_329 = arith.constant 64 : index
        %get3A_330 = tpu.vector_load %arg23[%get3A_328, %get3A_329] {strides = array<i32>} : memref<40x304xf32, #tpu.memory_space<vmem>>, vector<1x16xf32>,
        %get3A_331 = vector.shape_cast %get3A_330 : vector<1x16xf32> to vector<16xf32>
        %add3A_332 = arith.addf %add3A_327, %get3A_331 : vector<16xf32>
        %get3A_333 = arith.index_cast %scan3A_184 : i32 to index
        %get3A_334 = arith.constant 64 : index
        %get3A_335 = tpu.vector_load %arg24[%get3A_333, %get3A_334] {strides = array<i32>} : memref<40x304xf32, #tpu.memory_space<vmem>>, vector<1x16xf32>,
        %get3A_336 = vector.shape_cast %get3A_335 : vector<1x16xf32> to vector<16xf32>
        %add3A_337 = arith.addf %add3A_332, %get3A_336 : vector<16xf32>
        %get3A_338 = arith.index_cast %scan3A_184 : i32 to index
        %get3A_339 = arith.constant 64 : index
        %get3A_340 = tpu.vector_load %arg25[%get3A_338, %get3A_339] {strides = array<i32>} : memref<40x304xf32, #tpu.memory_space<vmem>>, vector<1x16xf32>,
        %get3A_341 = vector.shape_cast %get3A_340 : vector<1x16xf32> to vector<16xf32>
        %add3A_342 = arith.addf %add3A_337, %get3A_341 : vector<16xf32>
        %get3A_343 = arith.index_cast %scan3A_184 : i32 to index
        %get3A_344 = arith.constant 64 : index
        %get3A_345 = tpu.vector_load %arg26[%get3A_343, %get3A_344] {strides = array<i32>} : memref<40x304xf32, #tpu.memory_space<vmem>>, vector<1x16xf32>,
        %get3A_346 = vector.shape_cast %get3A_345 : vector<1x16xf32> to vector<16xf32>
        %add3A_347 = arith.addf %add3A_342, %get3A_346 : vector<16xf32>
        %swap3A_348 = arith.index_cast %scan3A_184 : i32 to index
        %swap3A_349 = arith.constant 64 : index
        %swap3A_350 = tpu.vector_load %arg27[%swap3A_348, %swap3A_349] {strides = array<i32>} : memref<40x300xf32, #tpu.memory_space<vmem>>, vector<1x16xf32>,
        %swap3A_351 = vector.shape_cast %swap3A_350 : vector<1x16xf32> to vector<16xf32>
        %swap3A_352 = vector.shape_cast %add3A_347 : vector<16xf32> to vector<1x16xf32>
        tpu.vector_store %arg27[%swap3A_348, %swap3A_349], %swap3A_352 {strides = array<i32>} : memref<40x300xf32, #tpu.memory_space<vmem>>, vector<1x16xf32>,
        %get3A_353 = arith.index_cast %scan3A_184 : i32 to index
        %get3A_354 = arith.constant 80 : index
        %get3A_355 = tpu.vector_load %arg21[%get3A_353, %get3A_354] {strides = array<i32>} : memref<40x304xf32, #tpu.memory_space<vmem>>, vector<1x16xf32>,
        %get3A_356 = vector.shape_cast %get3A_355 : vector<1x16xf32> to vector<16xf32>
        %get3A_357 = arith.index_cast %scan3A_184 : i32 to index
        %get3A_358 = arith.constant 80 : index
        %get3A_359 = tpu.vector_load %arg22[%get3A_357, %get3A_358] {strides = array<i32>} : memref<40x304xf32, #tpu.memory_space<vmem>>, vector<1x16xf32>,
        %get3A_360 = vector.shape_cast %get3A_359 : vector<1x16xf32> to vector<16xf32>
        %add3A_361 = arith.addf %get3A_356, %get3A_360 : vector<16xf32>
        %get3A_362 = arith.index_cast %scan3A_184 : i32 to index
        %get3A_363 = arith.constant 80 : index
        %get3A_364 = tpu.vector_load %arg23[%get3A_362, %get3A_363] {strides = array<i32>} : memref<40x304xf32, #tpu.memory_space<vmem>>, vector<1x16xf32>,
        %get3A_365 = vector.shape_cast %get3A_364 : vector<1x16xf32> to vector<16xf32>
        %add3A_366 = arith.addf %add3A_361, %get3A_365 : vector<16xf32>
        %get3A_367 = arith.index_cast %scan3A_184 : i32 to index
        %get3A_368 = arith.constant 80 : index
        %get3A_369 = tpu.vector_load %arg24[%get3A_367, %get3A_368] {strides = array<i32>} : memref<40x304xf32, #tpu.memory_space<vmem>>, vector<1x16xf32>,
        %get3A_370 = vector.shape_cast %get3A_369 : vector<1x16xf32> to vector<16xf32>
        %add3A_371 = arith.addf %add3A_366, %get3A_370 : vector<16xf32>
        %get3A_372 = arith.index_cast %scan3A_184 : i32 to index
        %get3A_373 = arith.constant 80 : index
        %get3A_374 = tpu.vector_load %arg25[%get3A_372, %get3A_373] {strides = array<i32>} : memref<40x304xf32, #tpu.memory_space<vmem>>, vector<1x16xf32>,
        %get3A_375 = vector.shape_cast %get3A_374 : vector<1x16xf32> to vector<16xf32>
        %add3A_376 = arith.addf %add3A_371, %get3A_375 : vector<16xf32>
        %get3A_377 = arith.index_cast %scan3A_184 : i32 to index
        %get3A_378 = arith.constant 80 : index
        %get3A_379 = tpu.vector_load %arg26[%get3A_377, %get3A_378] {strides = array<i32>} : memref<40x304xf32, #tpu.memory_space<vmem>>, vector<1x16xf32>,
        %get3A_380 = vector.shape_cast %get3A_379 : vector<1x16xf32> to vector<16xf32>
        %add3A_381 = arith.addf %add3A_376, %get3A_380 : vector<16xf32>
        %swap3A_382 = arith.index_cast %scan3A_184 : i32 to index
        %swap3A_383 = arith.constant 80 : index
        %swap3A_384 = tpu.vector_load %arg27[%swap3A_382, %swap3A_383] {strides = array<i32>} : memref<40x300xf32, #tpu.memory_space<vmem>>, vector<1x16xf32>,
        %swap3A_385 = vector.shape_cast %swap3A_384 : vector<1x16xf32> to vector<16xf32>
        %swap3A_386 = vector.shape_cast %add3A_381 : vector<16xf32> to vector<1x16xf32>
        tpu.vector_store %arg27[%swap3A_382, %swap3A_383], %swap3A_386 {strides = array<i32>} : memref<40x300xf32, #tpu.memory_space<vmem>>, vector<1x16xf32>,
        %get3A_387 = arith.index_cast %scan3A_184 : i32 to index
        %get3A_388 = arith.constant 96 : index
        %get3A_389 = tpu.vector_load %arg21[%get3A_387, %get3A_388] {strides = array<i32>} : memref<40x304xf32, #tpu.memory_space<vmem>>, vector<1x16xf32>,
        %get3A_390 = vector.shape_cast %get3A_389 : vector<1x16xf32> to vector<16xf32>
        %get3A_391 = arith.index_cast %scan3A_184 : i32 to index
        %get3A_392 = arith.constant 96 : index
        %get3A_393 = tpu.vector_load %arg22[%get3A_391, %get3A_392] {strides = array<i32>} : memref<40x304xf32, #tpu.memory_space<vmem>>, vector<1x16xf32>,
        %get3A_394 = vector.shape_cast %get3A_393 : vector<1x16xf32> to vector<16xf32>
        %add3A_395 = arith.addf %get3A_390, %get3A_394 : vector<16xf32>
        %get3A_396 = arith.index_cast %scan3A_184 : i32 to index
        %get3A_397 = arith.constant 96 : index
        %get3A_398 = tpu.vector_load %arg23[%get3A_396, %get3A_397] {strides = array<i32>} : memref<40x304xf32, #tpu.memory_space<vmem>>, vector<1x16xf32>,
        %get3A_399 = vector.shape_cast %get3A_398 : vector<1x16xf32> to vector<16xf32>
        %add3A_400 = arith.addf %add3A_395, %get3A_399 : vector<16xf32>
        %get3A_401 = arith.index_cast %scan3A_184 : i32 to index
        %get3A_402 = arith.constant 96 : index
        %get3A_403 = tpu.vector_load %arg24[%get3A_401, %get3A_402] {strides = array<i32>} : memref<40x304xf32, #tpu.memory_space<vmem>>, vector<1x16xf32>,
        %get3A_404 = vector.shape_cast %get3A_403 : vector<1x16xf32> to vector<16xf32>
        %add3A_405 = arith.addf %add3A_400, %get3A_404 : vector<16xf32>
        %get3A_406 = arith.index_cast %scan3A_184 : i32 to index
        %get3A_407 = arith.constant 96 : index
        %get3A_408 = tpu.vector_load %arg25[%get3A_406, %get3A_407] {strides = array<i32>} : memref<40x304xf32, #tpu.memory_space<vmem>>, vector<1x16xf32>,
        %get3A_409 = vector.shape_cast %get3A_408 : vector<1x16xf32> to vector<16xf32>
        %add3A_410 = arith.addf %add3A_405, %get3A_409 : vector<16xf32>
        %get3A_411 = arith.index_cast %scan3A_184 : i32 to index
        %get3A_412 = arith.constant 96 : index
        %get3A_413 = tpu.vector_load %arg26[%get3A_411, %get3A_412] {strides = array<i32>} : memref<40x304xf32, #tpu.memory_space<vmem>>, vector<1x16xf32>,
        %get3A_414 = vector.shape_cast %get3A_413 : vector<1x16xf32> to vector<16xf32>
        %add3A_415 = arith.addf %add3A_410, %get3A_414 : vector<16xf32>
        %swap3A_416 = arith.index_cast %scan3A_184 : i32 to index
        %swap3A_417 = arith.constant 96 : index
        %swap3A_418 = tpu.vector_load %arg27[%swap3A_416, %swap3A_417] {strides = array<i32>} : memref<40x300xf32, #tpu.memory_space<vmem>>, vector<1x16xf32>,
        %swap3A_419 = vector.shape_cast %swap3A_418 : vector<1x16xf32> to vector<16xf32>
        %swap3A_420 = vector.shape_cast %add3A_415 : vector<16xf32> to vector<1x16xf32>
        tpu.vector_store %arg27[%swap3A_416, %swap3A_417], %swap3A_420 {strides = array<i32>} : memref<40x300xf32, #tpu.memory_space<vmem>>, vector<1x16xf32>,
        %get3A_421 = arith.index_cast %scan3A_184 : i32 to index
        %get3A_422 = arith.constant 112 : index
        %get3A_423 = tpu.vector_load %arg21[%get3A_421, %get3A_422] {strides = array<i32>} : memref<40x304xf32, #tpu.memory_space<vmem>>, vector<1x16xf32>,
        %get3A_424 = vector.shape_cast %get3A_423 : vector<1x16xf32> to vector<16xf32>
        %get3A_425 = arith.index_cast %scan3A_184 : i32 to index
        %get3A_426 = arith.constant 112 : index
        %get3A_427 = tpu.vector_load %arg22[%get3A_425, %get3A_426] {strides = array<i32>} : memref<40x304xf32, #tpu.memory_space<vmem>>, vector<1x16xf32>,
        %get3A_428 = vector.shape_cast %get3A_427 : vector<1x16xf32> to vector<16xf32>
        %add3A_429 = arith.addf %get3A_424, %get3A_428 : vector<16xf32>
        %get3A_430 = arith.index_cast %scan3A_184 : i32 to index
        %get3A_431 = arith.constant 112 : index
        %get3A_432 = tpu.vector_load %arg23[%get3A_430, %get3A_431] {strides = array<i32>} : memref<40x304xf32, #tpu.memory_space<vmem>>, vector<1x16xf32>,
        %get3A_433 = vector.shape_cast %get3A_432 : vector<1x16xf32> to vector<16xf32>
        %add3A_434 = arith.addf %add3A_429, %get3A_433 : vector<16xf32>
        %get3A_435 = arith.index_cast %scan3A_184 : i32 to index
        %get3A_436 = arith.constant 112 : index
        %get3A_437 = tpu.vector_load %arg24[%get3A_435, %get3A_436] {strides = array<i32>} : memref<40x304xf32, #tpu.memory_space<vmem>>, vector<1x16xf32>,
        %get3A_438 = vector.shape_cast %get3A_437 : vector<1x16xf32> to vector<16xf32>
        %add3A_439 = arith.addf %add3A_434, %get3A_438 : vector<16xf32>
        %get3A_440 = arith.index_cast %scan3A_184 : i32 to index
        %get3A_441 = arith.constant 112 : index
        %get3A_442 = tpu.vector_load %arg25[%get3A_440, %get3A_441] {strides = array<i32>} : memref<40x304xf32, #tpu.memory_space<vmem>>, vector<1x16xf32>,
        %get3A_443 = vector.shape_cast %get3A_442 : vector<1x16xf32> to vector<16xf32>
        %add3A_444 = arith.addf %add3A_439, %get3A_443 : vector<16xf32>
        %get3A_445 = arith.index_cast %scan3A_184 : i32 to index
        %get3A_446 = arith.constant 112 : index
        %get3A_447 = tpu.vector_load %arg26[%get3A_445, %get3A_446] {strides = array<i32>} : memref<40x304xf32, #tpu.memory_space<vmem>>, vector<1x16xf32>,
        %get3A_448 = vector.shape_cast %get3A_447 : vector<1x16xf32> to vector<16xf32>
        %add3A_449 = arith.addf %add3A_444, %get3A_448 : vector<16xf32>
        %swap3A_450 = arith.index_cast %scan3A_184 : i32 to index
        %swap3A_451 = arith.constant 112 : index
        %swap3A_452 = tpu.vector_load %arg27[%swap3A_450, %swap3A_451] {strides = array<i32>} : memref<40x300xf32, #tpu.memory_space<vmem>>, vector<1x16xf32>,
        %swap3A_453 = vector.shape_cast %swap3A_452 : vector<1x16xf32> to vector<16xf32>
        %swap3A_454 = vector.shape_cast %add3A_449 : vector<16xf32> to vector<1x16xf32>
        tpu.vector_store %arg27[%swap3A_450, %swap3A_451], %swap3A_454 {strides = array<i32>} : memref<40x300xf32, #tpu.memory_space<vmem>>, vector<1x16xf32>,
        %get3A_455 = arith.index_cast %scan3A_184 : i32 to index
        %get3A_456 = arith.constant 128 : index
        %get3A_457 = tpu.vector_load %arg21[%get3A_455, %get3A_456] {strides = array<i32>} : memref<40x304xf32, #tpu.memory_space<vmem>>, vector<1x16xf32>,
        %get3A_458 = vector.shape_cast %get3A_457 : vector<1x16xf32> to vector<16xf32>
        %get3A_459 = arith.index_cast %scan3A_184 : i32 to index
        %get3A_460 = arith.constant 128 : index
        %get3A_461 = tpu.vector_load %arg22[%get3A_459, %get3A_460] {strides = array<i32>} : memref<40x304xf32, #tpu.memory_space<vmem>>, vector<1x16xf32>,
        %get3A_462 = vector.shape_cast %get3A_461 : vector<1x16xf32> to vector<16xf32>
        %add3A_463 = arith.addf %get3A_458, %get3A_462 : vector<16xf32>
        %get3A_464 = arith.index_cast %scan3A_184 : i32 to index
        %get3A_465 = arith.constant 128 : index
        %get3A_466 = tpu.vector_load %arg23[%get3A_464, %get3A_465] {strides = array<i32>} : memref<40x304xf32, #tpu.memory_space<vmem>>, vector<1x16xf32>,
        %get3A_467 = vector.shape_cast %get3A_466 : vector<1x16xf32> to vector<16xf32>
        %add3A_468 = arith.addf %add3A_463, %get3A_467 : vector<16xf32>
        %get3A_469 = arith.index_cast %scan3A_184 : i32 to index
        %get3A_470 = arith.constant 128 : index
        %get3A_471 = tpu.vector_load %arg24[%get3A_469, %get3A_470] {strides = array<i32>} : memref<40x304xf32, #tpu.memory_space<vmem>>, vector<1x16xf32>,
        %get3A_472 = vector.shape_cast %get3A_471 : vector<1x16xf32> to vector<16xf32>
        %add3A_473 = arith.addf %add3A_468, %get3A_472 : vector<16xf32>
        %get3A_474 = arith.index_cast %scan3A_184 : i32 to index
        %get3A_475 = arith.constant 128 : index
        %get3A_476 = tpu.vector_load %arg25[%get3A_474, %get3A_475] {strides = array<i32>} : memref<40x304xf32, #tpu.memory_space<vmem>>, vector<1x16xf32>,
        %get3A_477 = vector.shape_cast %get3A_476 : vector<1x16xf32> to vector<16xf32>
        %add3A_478 = arith.addf %add3A_473, %get3A_477 : vector<16xf32>
        %get3A_479 = arith.index_cast %scan3A_184 : i32 to index
        %get3A_480 = arith.constant 128 : index
        %get3A_481 = tpu.vector_load %arg26[%get3A_479, %get3A_480] {strides = array<i32>} : memref<40x304xf32, #tpu.memory_space<vmem>>, vector<1x16xf32>,
        %get3A_482 = vector.shape_cast %get3A_481 : vector<1x16xf32> to vector<16xf32>
        %add3A_483 = arith.addf %add3A_478, %get3A_482 : vector<16xf32>
        %swap3A_484 = arith.index_cast %scan3A_184 : i32 to index
        %swap3A_485 = arith.constant 128 : index
        %swap3A_486 = tpu.vector_load %arg27[%swap3A_484, %swap3A_485] {strides = array<i32>} : memref<40x300xf32, #tpu.memory_space<vmem>>, vector<1x16xf32>,
        %swap3A_487 = vector.shape_cast %swap3A_486 : vector<1x16xf32> to vector<16xf32>
        %swap3A_488 = vector.shape_cast %add3A_483 : vector<16xf32> to vector<1x16xf32>
        tpu.vector_store %arg27[%swap3A_484, %swap3A_485], %swap3A_488 {strides = array<i32>} : memref<40x300xf32, #tpu.memory_space<vmem>>, vector<1x16xf32>,
        %get3A_489 = arith.index_cast %scan3A_184 : i32 to index
        %get3A_490 = arith.constant 144 : index
        %get3A_491 = tpu.vector_load %arg21[%get3A_489, %get3A_490] {strides = array<i32>} : memref<40x304xf32, #tpu.memory_space<vmem>>, vector<1x16xf32>,
        %get3A_492 = vector.shape_cast %get3A_491 : vector<1x16xf32> to vector<16xf32>
        %get3A_493 = arith.index_cast %scan3A_184 : i32 to index
        %get3A_494 = arith.constant 144 : index
        %get3A_495 = tpu.vector_load %arg22[%get3A_493, %get3A_494] {strides = array<i32>} : memref<40x304xf32, #tpu.memory_space<vmem>>, vector<1x16xf32>,
        %get3A_496 = vector.shape_cast %get3A_495 : vector<1x16xf32> to vector<16xf32>
        %add3A_497 = arith.addf %get3A_492, %get3A_496 : vector<16xf32>
        %get3A_498 = arith.index_cast %scan3A_184 : i32 to index
        %get3A_499 = arith.constant 144 : index
        %get3A_500 = tpu.vector_load %arg23[%get3A_498, %get3A_499] {strides = array<i32>} : memref<40x304xf32, #tpu.memory_space<vmem>>, vector<1x16xf32>,
        %get3A_501 = vector.shape_cast %get3A_500 : vector<1x16xf32> to vector<16xf32>
        %add3A_502 = arith.addf %add3A_497, %get3A_501 : vector<16xf32>
        %get3A_503 = arith.index_cast %scan3A_184 : i32 to index
        %get3A_504 = arith.constant 144 : index
        %get3A_505 = tpu.vector_load %arg24[%get3A_503, %get3A_504] {strides = array<i32>} : memref<40x304xf32, #tpu.memory_space<vmem>>, vector<1x16xf32>,
        %get3A_506 = vector.shape_cast %get3A_505 : vector<1x16xf32> to vector<16xf32>
        %add3A_507 = arith.addf %add3A_502, %get3A_506 : vector<16xf32>
        %get3A_508 = arith.index_cast %scan3A_184 : i32 to index
        %get3A_509 = arith.constant 144 : index
        %get3A_510 = tpu.vector_load %arg25[%get3A_508, %get3A_509] {strides = array<i32>} : memref<40x304xf32, #tpu.memory_space<vmem>>, vector<1x16xf32>,
        %get3A_511 = vector.shape_cast %get3A_510 : vector<1x16xf32> to vector<16xf32>
        %add3A_512 = arith.addf %add3A_507, %get3A_511 : vector<16xf32>
        %get3A_513 = arith.index_cast %scan3A_184 : i32 to index
        %get3A_514 = arith.constant 144 : index
        %get3A_515 = tpu.vector_load %arg26[%get3A_513, %get3A_514] {strides = array<i32>} : memref<40x304xf32, #tpu.memory_space<vmem>>, vector<1x16xf32>,
        %get3A_516 = vector.shape_cast %get3A_515 : vector<1x16xf32> to vector<16xf32>
        %add3A_517 = arith.addf %add3A_512, %get3A_516 : vector<16xf32>
        %swap3A_518 = arith.index_cast %scan3A_184 : i32 to index
        %swap3A_519 = arith.constant 144 : index
        %swap3A_520 = tpu.vector_load %arg27[%swap3A_518, %swap3A_519] {strides = array<i32>} : memref<40x300xf32, #tpu.memory_space<vmem>>, vector<1x16xf32>,
        %swap3A_521 = vector.shape_cast %swap3A_520 : vector<1x16xf32> to vector<16xf32>
        %swap3A_522 = vector.shape_cast %add3A_517 : vector<16xf32> to vector<1x16xf32>
        tpu.vector_store %arg27[%swap3A_518, %swap3A_519], %swap3A_522 {strides = array<i32>} : memref<40x300xf32, #tpu.memory_space<vmem>>, vector<1x16xf32>,
        %get3A_523 = arith.index_cast %scan3A_184 : i32 to index
        %get3A_524 = arith.constant 160 : index
        %get3A_525 = tpu.vector_load %arg21[%get3A_523, %get3A_524] {strides = array<i32>} : memref<40x304xf32, #tpu.memory_space<vmem>>, vector<1x16xf32>,
        %get3A_526 = vector.shape_cast %get3A_525 : vector<1x16xf32> to vector<16xf32>
        %get3A_527 = arith.index_cast %scan3A_184 : i32 to index
        %get3A_528 = arith.constant 160 : index
        %get3A_529 = tpu.vector_load %arg22[%get3A_527, %get3A_528] {strides = array<i32>} : memref<40x304xf32, #tpu.memory_space<vmem>>, vector<1x16xf32>,
        %get3A_530 = vector.shape_cast %get3A_529 : vector<1x16xf32> to vector<16xf32>
        %add3A_531 = arith.addf %get3A_526, %get3A_530 : vector<16xf32>
        %get3A_532 = arith.index_cast %scan3A_184 : i32 to index
        %get3A_533 = arith.constant 160 : index
        %get3A_534 = tpu.vector_load %arg23[%get3A_532, %get3A_533] {strides = array<i32>} : memref<40x304xf32, #tpu.memory_space<vmem>>, vector<1x16xf32>,
        %get3A_535 = vector.shape_cast %get3A_534 : vector<1x16xf32> to vector<16xf32>
        %add3A_536 = arith.addf %add3A_531, %get3A_535 : vector<16xf32>
        %get3A_537 = arith.index_cast %scan3A_184 : i32 to index
        %get3A_538 = arith.constant 160 : index
        %get3A_539 = tpu.vector_load %arg24[%get3A_537, %get3A_538] {strides = array<i32>} : memref<40x304xf32, #tpu.memory_space<vmem>>, vector<1x16xf32>,
        %get3A_540 = vector.shape_cast %get3A_539 : vector<1x16xf32> to vector<16xf32>
        %add3A_541 = arith.addf %add3A_536, %get3A_540 : vector<16xf32>
        %get3A_542 = arith.index_cast %scan3A_184 : i32 to index
        %get3A_543 = arith.constant 160 : index
        %get3A_544 = tpu.vector_load %arg25[%get3A_542, %get3A_543] {strides = array<i32>} : memref<40x304xf32, #tpu.memory_space<vmem>>, vector<1x16xf32>,
        %get3A_545 = vector.shape_cast %get3A_544 : vector<1x16xf32> to vector<16xf32>
        %add3A_546 = arith.addf %add3A_541, %get3A_545 : vector<16xf32>
        %get3A_547 = arith.index_cast %scan3A_184 : i32 to index
        %get3A_548 = arith.constant 160 : index
        %get3A_549 = tpu.vector_load %arg26[%get3A_547, %get3A_548] {strides = array<i32>} : memref<40x304xf32, #tpu.memory_space<vmem>>, vector<1x16xf32>,
        %get3A_550 = vector.shape_cast %get3A_549 : vector<1x16xf32> to vector<16xf32>
        %add3A_551 = arith.addf %add3A_546, %get3A_550 : vector<16xf32>
        %swap3A_552 = arith.index_cast %scan3A_184 : i32 to index
        %swap3A_553 = arith.constant 160 : index
        %swap3A_554 = tpu.vector_load %arg27[%swap3A_552, %swap3A_553] {strides = array<i32>} : memref<40x300xf32, #tpu.memory_space<vmem>>, vector<1x16xf32>,
        %swap3A_555 = vector.shape_cast %swap3A_554 : vector<1x16xf32> to vector<16xf32>
        %swap3A_556 = vector.shape_cast %add3A_551 : vector<16xf32> to vector<1x16xf32>
        tpu.vector_store %arg27[%swap3A_552, %swap3A_553], %swap3A_556 {strides = array<i32>} : memref<40x300xf32, #tpu.memory_space<vmem>>, vector<1x16xf32>,
        %get3A_557 = arith.index_cast %scan3A_184 : i32 to index
        %get3A_558 = arith.constant 176 : index
        %get3A_559 = tpu.vector_load %arg21[%get3A_557, %get3A_558] {strides = array<i32>} : memref<40x304xf32, #tpu.memory_space<vmem>>, vector<1x16xf32>,
        %get3A_560 = vector.shape_cast %get3A_559 : vector<1x16xf32> to vector<16xf32>
        %get3A_561 = arith.index_cast %scan3A_184 : i32 to index
        %get3A_562 = arith.constant 176 : index
        %get3A_563 = tpu.vector_load %arg22[%get3A_561, %get3A_562] {strides = array<i32>} : memref<40x304xf32, #tpu.memory_space<vmem>>, vector<1x16xf32>,
        %get3A_564 = vector.shape_cast %get3A_563 : vector<1x16xf32> to vector<16xf32>
        %add3A_565 = arith.addf %get3A_560, %get3A_564 : vector<16xf32>
        %get3A_566 = arith.index_cast %scan3A_184 : i32 to index
        %get3A_567 = arith.constant 176 : index
        %get3A_568 = tpu.vector_load %arg23[%get3A_566, %get3A_567] {strides = array<i32>} : memref<40x304xf32, #tpu.memory_space<vmem>>, vector<1x16xf32>,
        %get3A_569 = vector.shape_cast %get3A_568 : vector<1x16xf32> to vector<16xf32>
        %add3A_570 = arith.addf %add3A_565, %get3A_569 : vector<16xf32>
        %get3A_571 = arith.index_cast %scan3A_184 : i32 to index
        %get3A_572 = arith.constant 176 : index
        %get3A_573 = tpu.vector_load %arg24[%get3A_571, %get3A_572] {strides = array<i32>} : memref<40x304xf32, #tpu.memory_space<vmem>>, vector<1x16xf32>,
        %get3A_574 = vector.shape_cast %get3A_573 : vector<1x16xf32> to vector<16xf32>
        %add3A_575 = arith.addf %add3A_570, %get3A_574 : vector<16xf32>
        %get3A_576 = arith.index_cast %scan3A_184 : i32 to index
        %get3A_577 = arith.constant 176 : index
        %get3A_578 = tpu.vector_load %arg25[%get3A_576, %get3A_577] {strides = array<i32>} : memref<40x304xf32, #tpu.memory_space<vmem>>, vector<1x16xf32>,
        %get3A_579 = vector.shape_cast %get3A_578 : vector<1x16xf32> to vector<16xf32>
        %add3A_580 = arith.addf %add3A_575, %get3A_579 : vector<16xf32>
        %get3A_581 = arith.index_cast %scan3A_184 : i32 to index
        %get3A_582 = arith.constant 176 : index
        %get3A_583 = tpu.vector_load %arg26[%get3A_581, %get3A_582] {strides = array<i32>} : memref<40x304xf32, #tpu.memory_space<vmem>>, vector<1x16xf32>,
        %get3A_584 = vector.shape_cast %get3A_583 : vector<1x16xf32> to vector<16xf32>
        %add3A_585 = arith.addf %add3A_580, %get3A_584 : vector<16xf32>
        %swap3A_586 = arith.index_cast %scan3A_184 : i32 to index
        %swap3A_587 = arith.constant 176 : index
        %swap3A_588 = tpu.vector_load %arg27[%swap3A_586, %swap3A_587] {strides = array<i32>} : memref<40x300xf32, #tpu.memory_space<vmem>>, vector<1x16xf32>,
        %swap3A_589 = vector.shape_cast %swap3A_588 : vector<1x16xf32> to vector<16xf32>
        %swap3A_590 = vector.shape_cast %add3A_585 : vector<16xf32> to vector<1x16xf32>
        tpu.vector_store %arg27[%swap3A_586, %swap3A_587], %swap3A_590 {strides = array<i32>} : memref<40x300xf32, #tpu.memory_space<vmem>>, vector<1x16xf32>,
        %get3A_591 = arith.index_cast %scan3A_184 : i32 to index
        %get3A_592 = arith.constant 192 : index
        %get3A_593 = tpu.vector_load %arg21[%get3A_591, %get3A_592] {strides = array<i32>} : memref<40x304xf32, #tpu.memory_space<vmem>>, vector<1x16xf32>,
        %get3A_594 = vector.shape_cast %get3A_593 : vector<1x16xf32> to vector<16xf32>
        %get3A_595 = arith.index_cast %scan3A_184 : i32 to index
        %get3A_596 = arith.constant 192 : index
        %get3A_597 = tpu.vector_load %arg22[%get3A_595, %get3A_596] {strides = array<i32>} : memref<40x304xf32, #tpu.memory_space<vmem>>, vector<1x16xf32>,
        %get3A_598 = vector.shape_cast %get3A_597 : vector<1x16xf32> to vector<16xf32>
        %add3A_599 = arith.addf %get3A_594, %get3A_598 : vector<16xf32>
        %get3A_600 = arith.index_cast %scan3A_184 : i32 to index
        %get3A_601 = arith.constant 192 : index
        %get3A_602 = tpu.vector_load %arg23[%get3A_600, %get3A_601] {strides = array<i32>} : memref<40x304xf32, #tpu.memory_space<vmem>>, vector<1x16xf32>,
        %get3A_603 = vector.shape_cast %get3A_602 : vector<1x16xf32> to vector<16xf32>
        %add3A_604 = arith.addf %add3A_599, %get3A_603 : vector<16xf32>
        %get3A_605 = arith.index_cast %scan3A_184 : i32 to index
        %get3A_606 = arith.constant 192 : index
        %get3A_607 = tpu.vector_load %arg24[%get3A_605, %get3A_606] {strides = array<i32>} : memref<40x304xf32, #tpu.memory_space<vmem>>, vector<1x16xf32>,
        %get3A_608 = vector.shape_cast %get3A_607 : vector<1x16xf32> to vector<16xf32>
        %add3A_609 = arith.addf %add3A_604, %get3A_608 : vector<16xf32>
        %get3A_610 = arith.index_cast %scan3A_184 : i32 to index
        %get3A_611 = arith.constant 192 : index
        %get3A_612 = tpu.vector_load %arg25[%get3A_610, %get3A_611] {strides = array<i32>} : memref<40x304xf32, #tpu.memory_space<vmem>>, vector<1x16xf32>,
        %get3A_613 = vector.shape_cast %get3A_612 : vector<1x16xf32> to vector<16xf32>
        %add3A_614 = arith.addf %add3A_609, %get3A_613 : vector<16xf32>
        %get3A_615 = arith.index_cast %scan3A_184 : i32 to index
        %get3A_616 = arith.constant 192 : index
        %get3A_617 = tpu.vector_load %arg26[%get3A_615, %get3A_616] {strides = array<i32>} : memref<40x304xf32, #tpu.memory_space<vmem>>, vector<1x16xf32>,
        %get3A_618 = vector.shape_cast %get3A_617 : vector<1x16xf32> to vector<16xf32>
        %add3A_619 = arith.addf %add3A_614, %get3A_618 : vector<16xf32>
        %swap3A_620 = arith.index_cast %scan3A_184 : i32 to index
        %swap3A_621 = arith.constant 192 : index
        %swap3A_622 = tpu.vector_load %arg27[%swap3A_620, %swap3A_621] {strides = array<i32>} : memref<40x300xf32, #tpu.memory_space<vmem>>, vector<1x16xf32>,
        %swap3A_623 = vector.shape_cast %swap3A_622 : vector<1x16xf32> to vector<16xf32>
        %swap3A_624 = vector.shape_cast %add3A_619 : vector<16xf32> to vector<1x16xf32>
        tpu.vector_store %arg27[%swap3A_620, %swap3A_621], %swap3A_624 {strides = array<i32>} : memref<40x300xf32, #tpu.memory_space<vmem>>, vector<1x16xf32>,
        %get3A_625 = arith.index_cast %scan3A_184 : i32 to index
        %get3A_626 = arith.constant 208 : index
        %get3A_627 = tpu.vector_load %arg21[%get3A_625, %get3A_626] {strides = array<i32>} : memref<40x304xf32, #tpu.memory_space<vmem>>, vector<1x16xf32>,
        %get3A_628 = vector.shape_cast %get3A_627 : vector<1x16xf32> to vector<16xf32>
        %get3A_629 = arith.index_cast %scan3A_184 : i32 to index
        %get3A_630 = arith.constant 208 : index
        %get3A_631 = tpu.vector_load %arg22[%get3A_629, %get3A_630] {strides = array<i32>} : memref<40x304xf32, #tpu.memory_space<vmem>>, vector<1x16xf32>,
        %get3A_632 = vector.shape_cast %get3A_631 : vector<1x16xf32> to vector<16xf32>
        %add3A_633 = arith.addf %get3A_628, %get3A_632 : vector<16xf32>
        %get3A_634 = arith.index_cast %scan3A_184 : i32 to index
        %get3A_635 = arith.constant 208 : index
        %get3A_636 = tpu.vector_load %arg23[%get3A_634, %get3A_635] {strides = array<i32>} : memref<40x304xf32, #tpu.memory_space<vmem>>, vector<1x16xf32>,
        %get3A_637 = vector.shape_cast %get3A_636 : vector<1x16xf32> to vector<16xf32>
        %add3A_638 = arith.addf %add3A_633, %get3A_637 : vector<16xf32>
        %get3A_639 = arith.index_cast %scan3A_184 : i32 to index
        %get3A_640 = arith.constant 208 : index
        %get3A_641 = tpu.vector_load %arg24[%get3A_639, %get3A_640] {strides = array<i32>} : memref<40x304xf32, #tpu.memory_space<vmem>>, vector<1x16xf32>,
        %get3A_642 = vector.shape_cast %get3A_641 : vector<1x16xf32> to vector<16xf32>
        %add3A_643 = arith.addf %add3A_638, %get3A_642 : vector<16xf32>
        %get3A_644 = arith.index_cast %scan3A_184 : i32 to index
        %get3A_645 = arith.constant 208 : index
        %get3A_646 = tpu.vector_load %arg25[%get3A_644, %get3A_645] {strides = array<i32>} : memref<40x304xf32, #tpu.memory_space<vmem>>, vector<1x16xf32>,
        %get3A_647 = vector.shape_cast %get3A_646 : vector<1x16xf32> to vector<16xf32>
        %add3A_648 = arith.addf %add3A_643, %get3A_647 : vector<16xf32>
        %get3A_649 = arith.index_cast %scan3A_184 : i32 to index
        %get3A_650 = arith.constant 208 : index
        %get3A_651 = tpu.vector_load %arg26[%get3A_649, %get3A_650] {strides = array<i32>} : memref<40x304xf32, #tpu.memory_space<vmem>>, vector<1x16xf32>,
        %get3A_652 = vector.shape_cast %get3A_651 : vector<1x16xf32> to vector<16xf32>
        %add3A_653 = arith.addf %add3A_648, %get3A_652 : vector<16xf32>
        %swap3A_654 = arith.index_cast %scan3A_184 : i32 to index
        %swap3A_655 = arith.constant 208 : index
        %swap3A_656 = tpu.vector_load %arg27[%swap3A_654, %swap3A_655] {strides = array<i32>} : memref<40x300xf32, #tpu.memory_space<vmem>>, vector<1x16xf32>,
        %swap3A_657 = vector.shape_cast %swap3A_656 : vector<1x16xf32> to vector<16xf32>
        %swap3A_658 = vector.shape_cast %add3A_653 : vector<16xf32> to vector<1x16xf32>
        tpu.vector_store %arg27[%swap3A_654, %swap3A_655], %swap3A_658 {strides = array<i32>} : memref<40x300xf32, #tpu.memory_space<vmem>>, vector<1x16xf32>,
        %get3A_659 = arith.index_cast %scan3A_184 : i32 to index
        %get3A_660 = arith.constant 224 : index
        %get3A_661 = tpu.vector_load %arg21[%get3A_659, %get3A_660] {strides = array<i32>} : memref<40x304xf32, #tpu.memory_space<vmem>>, vector<1x16xf32>,
        %get3A_662 = vector.shape_cast %get3A_661 : vector<1x16xf32> to vector<16xf32>
        %get3A_663 = arith.index_cast %scan3A_184 : i32 to index
        %get3A_664 = arith.constant 224 : index
        %get3A_665 = tpu.vector_load %arg22[%get3A_663, %get3A_664] {strides = array<i32>} : memref<40x304xf32, #tpu.memory_space<vmem>>, vector<1x16xf32>,
        %get3A_666 = vector.shape_cast %get3A_665 : vector<1x16xf32> to vector<16xf32>
        %add3A_667 = arith.addf %get3A_662, %get3A_666 : vector<16xf32>
        %get3A_668 = arith.index_cast %scan3A_184 : i32 to index
        %get3A_669 = arith.constant 224 : index
        %get3A_670 = tpu.vector_load %arg23[%get3A_668, %get3A_669] {strides = array<i32>} : memref<40x304xf32, #tpu.memory_space<vmem>>, vector<1x16xf32>,
        %get3A_671 = vector.shape_cast %get3A_670 : vector<1x16xf32> to vector<16xf32>
        %add3A_672 = arith.addf %add3A_667, %get3A_671 : vector<16xf32>
        %get3A_673 = arith.index_cast %scan3A_184 : i32 to index
        %get3A_674 = arith.constant 224 : index
        %get3A_675 = tpu.vector_load %arg24[%get3A_673, %get3A_674] {strides = array<i32>} : memref<40x304xf32, #tpu.memory_space<vmem>>, vector<1x16xf32>,
        %get3A_676 = vector.shape_cast %get3A_675 : vector<1x16xf32> to vector<16xf32>
        %add3A_677 = arith.addf %add3A_672, %get3A_676 : vector<16xf32>
        %get3A_678 = arith.index_cast %scan3A_184 : i32 to index
        %get3A_679 = arith.constant 224 : index
        %get3A_680 = tpu.vector_load %arg25[%get3A_678, %get3A_679] {strides = array<i32>} : memref<40x304xf32, #tpu.memory_space<vmem>>, vector<1x16xf32>,
        %get3A_681 = vector.shape_cast %get3A_680 : vector<1x16xf32> to vector<16xf32>
        %add3A_682 = arith.addf %add3A_677, %get3A_681 : vector<16xf32>
        %get3A_683 = arith.index_cast %scan3A_184 : i32 to index
        %get3A_684 = arith.constant 224 : index
        %get3A_685 = tpu.vector_load %arg26[%get3A_683, %get3A_684] {strides = array<i32>} : memref<40x304xf32, #tpu.memory_space<vmem>>, vector<1x16xf32>,
        %get3A_686 = vector.shape_cast %get3A_685 : vector<1x16xf32> to vector<16xf32>
        %add3A_687 = arith.addf %add3A_682, %get3A_686 : vector<16xf32>
        %swap3A_688 = arith.index_cast %scan3A_184 : i32 to index
        %swap3A_689 = arith.constant 224 : index
        %swap3A_690 = tpu.vector_load %arg27[%swap3A_688, %swap3A_689] {strides = array<i32>} : memref<40x300xf32, #tpu.memory_space<vmem>>, vector<1x16xf32>,
        %swap3A_691 = vector.shape_cast %swap3A_690 : vector<1x16xf32> to vector<16xf32>
        %swap3A_692 = vector.shape_cast %add3A_687 : vector<16xf32> to vector<1x16xf32>
        tpu.vector_store %arg27[%swap3A_688, %swap3A_689], %swap3A_692 {strides = array<i32>} : memref<40x300xf32, #tpu.memory_space<vmem>>, vector<1x16xf32>,
        %get3A_693 = arith.index_cast %scan3A_184 : i32 to index
        %get3A_694 = arith.constant 240 : index
        %get3A_695 = tpu.vector_load %arg21[%get3A_693, %get3A_694] {strides = array<i32>} : memref<40x304xf32, #tpu.memory_space<vmem>>, vector<1x16xf32>,
        %get3A_696 = vector.shape_cast %get3A_695 : vector<1x16xf32> to vector<16xf32>
        %get3A_697 = arith.index_cast %scan3A_184 : i32 to index
        %get3A_698 = arith.constant 240 : index
        %get3A_699 = tpu.vector_load %arg22[%get3A_697, %get3A_698] {strides = array<i32>} : memref<40x304xf32, #tpu.memory_space<vmem>>, vector<1x16xf32>,
        %get3A_700 = vector.shape_cast %get3A_699 : vector<1x16xf32> to vector<16xf32>
        %add3A_701 = arith.addf %get3A_696, %get3A_700 : vector<16xf32>
        %get3A_702 = arith.index_cast %scan3A_184 : i32 to index
        %get3A_703 = arith.constant 240 : index
        %get3A_704 = tpu.vector_load %arg23[%get3A_702, %get3A_703] {strides = array<i32>} : memref<40x304xf32, #tpu.memory_space<vmem>>, vector<1x16xf32>,
        %get3A_705 = vector.shape_cast %get3A_704 : vector<1x16xf32> to vector<16xf32>
        %add3A_706 = arith.addf %add3A_701, %get3A_705 : vector<16xf32>
        %get3A_707 = arith.index_cast %scan3A_184 : i32 to index
        %get3A_708 = arith.constant 240 : index
        %get3A_709 = tpu.vector_load %arg24[%get3A_707, %get3A_708] {strides = array<i32>} : memref<40x304xf32, #tpu.memory_space<vmem>>, vector<1x16xf32>,
        %get3A_710 = vector.shape_cast %get3A_709 : vector<1x16xf32> to vector<16xf32>
        %add3A_711 = arith.addf %add3A_706, %get3A_710 : vector<16xf32>
        %get3A_712 = arith.index_cast %scan3A_184 : i32 to index
        %get3A_713 = arith.constant 240 : index
        %get3A_714 = tpu.vector_load %arg25[%get3A_712, %get3A_713] {strides = array<i32>} : memref<40x304xf32, #tpu.memory_space<vmem>>, vector<1x16xf32>,
        %get3A_715 = vector.shape_cast %get3A_714 : vector<1x16xf32> to vector<16xf32>
        %add3A_716 = arith.addf %add3A_711, %get3A_715 : vector<16xf32>
        %get3A_717 = arith.index_cast %scan3A_184 : i32 to index
        %get3A_718 = arith.constant 240 : index
        %get3A_719 = tpu.vector_load %arg26[%get3A_717, %get3A_718] {strides = array<i32>} : memref<40x304xf32, #tpu.memory_space<vmem>>, vector<1x16xf32>,
        %get3A_720 = vector.shape_cast %get3A_719 : vector<1x16xf32> to vector<16xf32>
        %add3A_721 = arith.addf %add3A_716, %get3A_720 : vector<16xf32>
        %swap3A_722 = arith.index_cast %scan3A_184 : i32 to index
        %swap3A_723 = arith.constant 240 : index
        %swap3A_724 = tpu.vector_load %arg27[%swap3A_722, %swap3A_723] {strides = array<i32>} : memref<40x300xf32, #tpu.memory_space<vmem>>, vector<1x16xf32>,
        %swap3A_725 = vector.shape_cast %swap3A_724 : vector<1x16xf32> to vector<16xf32>
        %swap3A_726 = vector.shape_cast %add3A_721 : vector<16xf32> to vector<1x16xf32>
        tpu.vector_store %arg27[%swap3A_722, %swap3A_723], %swap3A_726 {strides = array<i32>} : memref<40x300xf32, #tpu.memory_space<vmem>>, vector<1x16xf32>,
        %get3A_727 = arith.index_cast %scan3A_184 : i32 to index
        %get3A_728 = arith.constant 256 : index
        %get3A_729 = tpu.vector_load %arg21[%get3A_727, %get3A_728] {strides = array<i32>} : memref<40x304xf32, #tpu.memory_space<vmem>>, vector<1x16xf32>,
        %get3A_730 = vector.shape_cast %get3A_729 : vector<1x16xf32> to vector<16xf32>
        %get3A_731 = arith.index_cast %scan3A_184 : i32 to index
        %get3A_732 = arith.constant 256 : index
        %get3A_733 = tpu.vector_load %arg22[%get3A_731, %get3A_732] {strides = array<i32>} : memref<40x304xf32, #tpu.memory_space<vmem>>, vector<1x16xf32>,
        %get3A_734 = vector.shape_cast %get3A_733 : vector<1x16xf32> to vector<16xf32>
        %add3A_735 = arith.addf %get3A_730, %get3A_734 : vector<16xf32>
        %get3A_736 = arith.index_cast %scan3A_184 : i32 to index
        %get3A_737 = arith.constant 256 : index
        %get3A_738 = tpu.vector_load %arg23[%get3A_736, %get3A_737] {strides = array<i32>} : memref<40x304xf32, #tpu.memory_space<vmem>>, vector<1x16xf32>,
        %get3A_739 = vector.shape_cast %get3A_738 : vector<1x16xf32> to vector<16xf32>
        %add3A_740 = arith.addf %add3A_735, %get3A_739 : vector<16xf32>
        %get3A_741 = arith.index_cast %scan3A_184 : i32 to index
        %get3A_742 = arith.constant 256 : index
        %get3A_743 = tpu.vector_load %arg24[%get3A_741, %get3A_742] {strides = array<i32>} : memref<40x304xf32, #tpu.memory_space<vmem>>, vector<1x16xf32>,
        %get3A_744 = vector.shape_cast %get3A_743 : vector<1x16xf32> to vector<16xf32>
        %add3A_745 = arith.addf %add3A_740, %get3A_744 : vector<16xf32>
        %get3A_746 = arith.index_cast %scan3A_184 : i32 to index
        %get3A_747 = arith.constant 256 : index
        %get3A_748 = tpu.vector_load %arg25[%get3A_746, %get3A_747] {strides = array<i32>} : memref<40x304xf32, #tpu.memory_space<vmem>>, vector<1x16xf32>,
        %get3A_749 = vector.shape_cast %get3A_748 : vector<1x16xf32> to vector<16xf32>
        %add3A_750 = arith.addf %add3A_745, %get3A_749 : vector<16xf32>
        %get3A_751 = arith.index_cast %scan3A_184 : i32 to index
        %get3A_752 = arith.constant 256 : index
        %get3A_753 = tpu.vector_load %arg26[%get3A_751, %get3A_752] {strides = array<i32>} : memref<40x304xf32, #tpu.memory_space<vmem>>, vector<1x16xf32>,
        %get3A_754 = vector.shape_cast %get3A_753 : vector<1x16xf32> to vector<16xf32>
        %add3A_755 = arith.addf %add3A_750, %get3A_754 : vector<16xf32>
        %swap3A_756 = arith.index_cast %scan3A_184 : i32 to index
        %swap3A_757 = arith.constant 256 : index
        %swap3A_758 = tpu.vector_load %arg27[%swap3A_756, %swap3A_757] {strides = array<i32>} : memref<40x300xf32, #tpu.memory_space<vmem>>, vector<1x16xf32>,
        %swap3A_759 = vector.shape_cast %swap3A_758 : vector<1x16xf32> to vector<16xf32>
        %swap3A_760 = vector.shape_cast %add3A_755 : vector<16xf32> to vector<1x16xf32>
        tpu.vector_store %arg27[%swap3A_756, %swap3A_757], %swap3A_760 {strides = array<i32>} : memref<40x300xf32, #tpu.memory_space<vmem>>, vector<1x16xf32>,
        %get3A_761 = arith.index_cast %scan3A_184 : i32 to index
        %get3A_762 = arith.constant 272 : index
        %get3A_763 = tpu.vector_load %arg21[%get3A_761, %get3A_762] {strides = array<i32>} : memref<40x304xf32, #tpu.memory_space<vmem>>, vector<1x16xf32>,
        %get3A_764 = vector.shape_cast %get3A_763 : vector<1x16xf32> to vector<16xf32>
        %get3A_765 = arith.index_cast %scan3A_184 : i32 to index
        %get3A_766 = arith.constant 272 : index
        %get3A_767 = tpu.vector_load %arg22[%get3A_765, %get3A_766] {strides = array<i32>} : memref<40x304xf32, #tpu.memory_space<vmem>>, vector<1x16xf32>,
        %get3A_768 = vector.shape_cast %get3A_767 : vector<1x16xf32> to vector<16xf32>
        %add3A_769 = arith.addf %get3A_764, %get3A_768 : vector<16xf32>
        %get3A_770 = arith.index_cast %scan3A_184 : i32 to index
        %get3A_771 = arith.constant 272 : index
        %get3A_772 = tpu.vector_load %arg23[%get3A_770, %get3A_771] {strides = array<i32>} : memref<40x304xf32, #tpu.memory_space<vmem>>, vector<1x16xf32>,
        %get3A_773 = vector.shape_cast %get3A_772 : vector<1x16xf32> to vector<16xf32>
        %add3A_774 = arith.addf %add3A_769, %get3A_773 : vector<16xf32>
        %get3A_775 = arith.index_cast %scan3A_184 : i32 to index
        %get3A_776 = arith.constant 272 : index
        %get3A_777 = tpu.vector_load %arg24[%get3A_775, %get3A_776] {strides = array<i32>} : memref<40x304xf32, #tpu.memory_space<vmem>>, vector<1x16xf32>,
        %get3A_778 = vector.shape_cast %get3A_777 : vector<1x16xf32> to vector<16xf32>
        %add3A_779 = arith.addf %add3A_774, %get3A_778 : vector<16xf32>
        %get3A_780 = arith.index_cast %scan3A_184 : i32 to index
        %get3A_781 = arith.constant 272 : index
        %get3A_782 = tpu.vector_load %arg25[%get3A_780, %get3A_781] {strides = array<i32>} : memref<40x304xf32, #tpu.memory_space<vmem>>, vector<1x16xf32>,
        %get3A_783 = vector.shape_cast %get3A_782 : vector<1x16xf32> to vector<16xf32>
        %add3A_784 = arith.addf %add3A_779, %get3A_783 : vector<16xf32>
        %get3A_785 = arith.index_cast %scan3A_184 : i32 to index
        %get3A_786 = arith.constant 272 : index
        %get3A_787 = tpu.vector_load %arg26[%get3A_785, %get3A_786] {strides = array<i32>} : memref<40x304xf32, #tpu.memory_space<vmem>>, vector<1x16xf32>,
        %get3A_788 = vector.shape_cast %get3A_787 : vector<1x16xf32> to vector<16xf32>
        %add3A_789 = arith.addf %add3A_784, %get3A_788 : vector<16xf32>
        %swap3A_790 = arith.index_cast %scan3A_184 : i32 to index
        %swap3A_791 = arith.constant 272 : index
        %swap3A_792 = tpu.vector_load %arg27[%swap3A_790, %swap3A_791] {strides = array<i32>} : memref<40x300xf32, #tpu.memory_space<vmem>>, vector<1x16xf32>,
        %swap3A_793 = vector.shape_cast %swap3A_792 : vector<1x16xf32> to vector<16xf32>
        %swap3A_794 = vector.shape_cast %add3A_789 : vector<16xf32> to vector<1x16xf32>
        tpu.vector_store %arg27[%swap3A_790, %swap3A_791], %swap3A_794 {strides = array<i32>} : memref<40x300xf32, #tpu.memory_space<vmem>>, vector<1x16xf32>,
        %get3A_795 = arith.index_cast %scan3A_184 : i32 to index
        %get3A_796 = arith.constant 284 : index
        %get3A_797 = tpu.vector_load %arg21[%get3A_795, %get3A_796] {strides = array<i32>} : memref<40x304xf32, #tpu.memory_space<vmem>>, vector<1x16xf32>,
        %get3A_798 = vector.shape_cast %get3A_797 : vector<1x16xf32> to vector<16xf32>
        %get3A_799 = arith.index_cast %scan3A_184 : i32 to index
        %get3A_800 = arith.constant 284 : index
        %get3A_801 = tpu.vector_load %arg22[%get3A_799, %get3A_800] {strides = array<i32>} : memref<40x304xf32, #tpu.memory_space<vmem>>, vector<1x16xf32>,
        %get3A_802 = vector.shape_cast %get3A_801 : vector<1x16xf32> to vector<16xf32>
        %add3A_803 = arith.addf %get3A_798, %get3A_802 : vector<16xf32>
        %get3A_804 = arith.index_cast %scan3A_184 : i32 to index
        %get3A_805 = arith.constant 284 : index
        %get3A_806 = tpu.vector_load %arg23[%get3A_804, %get3A_805] {strides = array<i32>} : memref<40x304xf32, #tpu.memory_space<vmem>>, vector<1x16xf32>,
        %get3A_807 = vector.shape_cast %get3A_806 : vector<1x16xf32> to vector<16xf32>
        %add3A_808 = arith.addf %add3A_803, %get3A_807 : vector<16xf32>
        %get3A_809 = arith.index_cast %scan3A_184 : i32 to index
        %get3A_810 = arith.constant 284 : index
        %get3A_811 = tpu.vector_load %arg24[%get3A_809, %get3A_810] {strides = array<i32>} : memref<40x304xf32, #tpu.memory_space<vmem>>, vector<1x16xf32>,
        %get3A_812 = vector.shape_cast %get3A_811 : vector<1x16xf32> to vector<16xf32>
        %add3A_813 = arith.addf %add3A_808, %get3A_812 : vector<16xf32>
        %get3A_814 = arith.index_cast %scan3A_184 : i32 to index
        %get3A_815 = arith.constant 284 : index
        %get3A_816 = tpu.vector_load %arg25[%get3A_814, %get3A_815] {strides = array<i32>} : memref<40x304xf32, #tpu.memory_space<vmem>>, vector<1x16xf32>,
        %get3A_817 = vector.shape_cast %get3A_816 : vector<1x16xf32> to vector<16xf32>
        %add3A_818 = arith.addf %add3A_813, %get3A_817 : vector<16xf32>
        %get3A_819 = arith.index_cast %scan3A_184 : i32 to index
        %get3A_820 = arith.constant 284 : index
        %get3A_821 = tpu.vector_load %arg26[%get3A_819, %get3A_820] {strides = array<i32>} : memref<40x304xf32, #tpu.memory_space<vmem>>, vector<1x16xf32>,
        %get3A_822 = vector.shape_cast %get3A_821 : vector<1x16xf32> to vector<16xf32>
        %add3A_823 = arith.addf %add3A_818, %get3A_822 : vector<16xf32>
        %swap3A_824 = arith.index_cast %scan3A_184 : i32 to index
        %swap3A_825 = arith.constant 284 : index
        %swap3A_826 = tpu.vector_load %arg27[%swap3A_824, %swap3A_825] {strides = array<i32>} : memref<40x300xf32, #tpu.memory_space<vmem>>, vector<1x16xf32>,
        %swap3A_827 = vector.shape_cast %swap3A_826 : vector<1x16xf32> to vector<16xf32>
        %swap3A_828 = vector.shape_cast %add3A_823 : vector<16xf32> to vector<1x16xf32>
        tpu.vector_store %arg27[%swap3A_824, %swap3A_825], %swap3A_828 {strides = array<i32>} : memref<40x300xf32, #tpu.memory_space<vmem>>, vector<1x16xf32>,
      }
      %scan3A_180 = arith.constant 40 : i32
      %mul3A_181 = arith.constant 40 : i32
      %mul3A_182 = arith.muli %scan3A_102, %mul3A_181 : i32
      %add3A_183 = arith.addi %mul3A_2, %mul3A_182 : i32
      "tpu.region"() ({
        %run_scoped3A = tpu.sem_alloc : memref<!tpu.dma_semaphore, #tpu.memory_space<semaphore_mem>>
        %dma_start3A_184 = arith.constant 0 : i32
        %dma_start3A_185 = tpu.memref_slice %arg14[%add3A_183, %dma_start3A_184] : memref<204800x300xf32, #tpu.memory_space<hbm>> -> memref<40x300xf32, #tpu.memory_space<hbm>>
        %dma_start3A_186 = arith.constant 0 : i32
        %dma_start3A_187 = tpu.memref_slice %arg14[%add3A_183, %dma_start3A_186] : memref<204800x300xf32, #tpu.memory_space<hbm>> -> memref<40x300xf32, #tpu.memory_space<hbm>>
        tpu.enqueue_dma source(%arg27 : memref<40x300xf32, #tpu.memory_space<vmem>>) target(%dma_start3A_187 : memref<40x300xf32, #tpu.memory_space<hbm>>) target_semaphore(%run_scoped3A : memref<!tpu.dma_semaphore, #tpu.memory_space<semaphore_mem>>)
        %dma_wait3A_188 = arith.constant 0 : i32
        %dma_wait3A_189 = tpu.memref_slice %arg14[%add3A_183, %dma_wait3A_188] : memref<204800x300xf32, #tpu.memory_space<hbm>> -> memref<40x300xf32, #tpu.memory_space<hbm>>
        %dma_wait3A_190 = arith.constant 0 : i32
        %dma_wait3A_191 = tpu.memref_slice %arg14[%add3A_183, %dma_wait3A_190] : memref<204800x300xf32, #tpu.memory_space<hbm>> -> memref<40x300xf32, #tpu.memory_space<hbm>>
        tpu.wait_dma2 semaphore(%run_scoped3A : memref<!tpu.dma_semaphore, #tpu.memory_space<semaphore_mem>>) src(%arg27 : memref<40x300xf32, #tpu.memory_space<vmem>>) dst(%dma_wait3A_191 : memref<40x300xf32, #tpu.memory_space<hbm>>)
        tpu.yield
      }) : () -> ()
    }
    %scan3A_101 = arith.constant 160 : i32
    return
  }
}

</mosaic_0001>

<sc_bundles>
// kernel: kernel.3.cloned.1.call-start
scs
__scs_entry_jumppad:
0x0: {  	(pc) =	sbr.rel $0x88, $3  }
0x1: {  	(tag) =	ssettag $0x0;
	lr =	simm.s32 $0x1  }
0x2: {  	[smem:$0x3F96] =	sst lr;
	_ =	strace $0xD0000000  }
0x3: {  	_ = 	snop  }
0x4: {  	_ = 	snop  }
0x5: {  	_ = 	snop  }
0x6: {  	_ = 	snop  }
0x7: {  	_ = 	snop  }
__scs_overlays_trampoline_lowered:
0x8: {  	[smem:$0x3FA5] =	sst s0  }
0x9: {  	[smem:$0x3FA6] =	sst s1  }
0xa: {  	[smem:$0x3FA7] =	sst s2  }
0xb: {  	[smem:$0x3FA8] =	sst s3  }
0xc: {  	[smem:$0x3FA9] =	sst s4  }
0xd: {  	[smem:$0x3FAA] =	sst s5  }
0xe: {  	[smem:$0x3FAB] =	sst s6  }
0xf: {  	[smem:$0x3FAC] =	sst s7  }
0x10: {  	[smem:$0x3FAD] =	sst s8  }
0x11: {  	[smem:$0x3FAE] =	sst s9;
	s0 =	simm.s32 @!p0 $0x0  }
0x12: {  	s1 =	sld [smem:$0x3F94];
	s0 =	simm.s32 @p0 $0x1  }
0x13: {  	[smem:$0x3FAF] =	sst s0;
	s0 =	simm.s32 @!p1 $0x0  }
0x14: {  	s2 =	sld [smem:$0x3F93];
	s0 =	simm.s32 @p1 $0x1  }
0x15: {  	[smem:$0x3FB0] =	sst s0;
	s0 =	simm.s32 @!p2 $0x0  }
0x16: {  	s3 =	sld [smem:$0x3FDB];
	s0 =	simm.s32 @p2 $0x1  }
0x17: {  	s4 =	simm.s32 $0x1BF5;
	[smem:$0x3FB2] =	sst s0  }
0x18: {  	s0 =	sld [smem:$0x3F95];
	_ =	swait.ge [sflag:s4], $0x0  }
0x19: {  	s7 =	sld [smem:$0x3F96]  }
0x1a: {  	s8 =	sadd.s32 $0xFFFFE003, lr  }
0x1b: {  	s9 =	sadd.s32 $0xFFFFFEF7, lr;
	s5 =	simm.s32 $0xFFFFFFFF;
	p2 =	slt.u32 s8, $0xFFFFF086  }
0x1c: {  	p1 =	slt.u32 s9, $0xF7A;
	s5 =	simm.s32 @!p2 $0x0  }
0x1d: {  	s5 =	simm.s32 @p1 $0x1;
	p0 =	seq.s32 s7, s2  }
0x1e: {  	s7 =	smul.u32 @!p0 $0xF7A, s2;
	p2 =	seq.s32 @!p0 s5, $0x0  }
0x1f: {  	s9 =	smul.u32 $0xF7A, s1;
	s8 =	simm.s32 @!p0 $0x1BF5;
	p2 =	por !p2, p0  }
0x20: {  	[sflag:s8] =	ssyncset.s32 @!p0 $0xFFFFF086;
	s6 =	sadd.s32 @!p0 s3, s7;
	s7 =	simm.s32 @!p0 $0x108  }
0x21: {  	s3 =	sadd.s32 s3, s9;
	s6 =	sadd.s32 @!p0 $0x88, s6;
	s7 =	simm.s32 @p2 $0x1082  }
0x22: {  	[simem:s7], [sflag:s8] =	dma.local @!p0 [hbm:s6], $0xF7A  }
0x23: {  	s9 =	sor.u32 $0xD0000000, s2;
	s6 =	simm.s32 $0x108;
	_ =	swait.ge @!p0 [sflag:s8], $0x0  }
0x24: {  	s3 =	sadd.s32 $0x88, s3;
	s6 =	simm.s32 @!p1 $0x1082;
	[sflag:s4] =	ssyncset.s32 $0xFFFFF086  }
0x25: {  	[simem:s6], [sflag:s4] =	dma.local [hbm:s3], $0xF7A  }
0x26: {  	[smem:$0x3F96] =	sst s1;
	(tag) =	ssettag s2;
	_ =	strace s9  }
0x27: {  	s1 =	sld [smem:$0x3FA6]  }
0x28: {  	s2 =	sld [smem:$0x3FA7]  }
0x29: {  	s4 =	sld [smem:$0x3FA9]  }
0x2a: {  	p0 =	seq.s32 s5, $0x0;
	s5 =	sld [smem:$0x3FAA]  }
0x2b: {  	s6 =	sld [smem:$0x3FAB]  }
0x2c: {  	s7 =	sld [smem:$0x3FAC]  }
0x2d: {  	s3 =	simm.s32 $0x108;
	s8 =	sld [smem:$0x3FAD]  }
0x2e: {  	s3 =	simm.s32 @!p0 $0x1082;
	s9 =	sld [smem:$0x3FAE]  }
0x2f: {  	lr =	sadd.s32 s0, s3;
	s0 =	sld [smem:$0x3FA5]  }
0x30: {  	s3 =	sld [smem:$0x3FA8]  }
0x31: {  	[smem:$0x3FB1] =	sst s10  }
0x32: {  	s10 =	sld [smem:$0x3FAF];
	_ =	sdelay $0x3  }
0x33: {  	p0 =	seq.s32 s10, $0x1;
	s10 =	sld [smem:$0x3FB1];
	_ =	sdelay $0x3  }
0x34: {  	[smem:$0x3FB1] =	sst s10  }
0x35: {  	s10 =	sld [smem:$0x3FB0];
	_ =	sdelay $0x3  }
0x36: {  	p1 =	seq.s32 s10, $0x1;
	s10 =	sld [smem:$0x3FB1];
	_ =	sdelay $0x3  }
0x37: {  	[smem:$0x3FB1] =	sst s10  }
0x38: {  	s10 =	sld [smem:$0x3FB2]  }
0x39: {  	_ = 	snop;
	(pc) =	sbr.ind lr, $3  }
0x3a: {  	_ = 	snop  }
0x3b: {  	_ = 	snop  }
0x3c: {  	p2 =	seq.s32 s10, $0x1;
	s10 =	sld [smem:$0x3FB1]  }
0x3d: {  	_ =	shalt  }
0x3e: {  	_ =	shalt  }
0x3f: {  	_ =	shalt  }
0x40: {  	_ =	shalt  }
0x41: {  	_ =	shalt  }
0x42: {  	_ =	shalt  }
0x43: {  	_ =	shalt  }
0x44: {  	_ =	shalt  }
0x45: {  	_ =	shalt  }
0x46: {  	_ =	shalt  }
0x47: {  	_ =	shalt  }
0x48: {  	_ =	shalt  }
0x49: {  	_ =	shalt  }
0x4a: {  	_ =	shalt  }
0x4b: {  	_ =	shalt  }
0x4c: {  	_ =	shalt  }
0x4d: {  	_ =	shalt  }
0x4e: {  	_ =	shalt  }
0x4f: {  	_ =	shalt  }
0x50: {  	_ =	shalt  }
0x51: {  	_ =	shalt  }
0x52: {  	_ =	shalt  }
0x53: {  	_ =	shalt  }
0x54: {  	_ =	shalt  }
0x55: {  	_ =	shalt  }
0x56: {  	_ =	shalt  }
0x57: {  	_ =	shalt  }
0x58: {  	_ =	shalt  }
0x59: {  	_ =	shalt  }
0x5a: {  	_ =	shalt  }
0x5b: {  	_ =	shalt  }
0x5c: {  	_ =	shalt  }
0x5d: {  	_ =	shalt  }
0x5e: {  	_ =	shalt  }
0x5f: {  	_ =	shalt  }
0x60: {  	_ =	shalt  }
0x61: {  	_ =	shalt  }
0x62: {  	_ =	shalt  }
0x63: {  	_ =	shalt  }
0x64: {  	_ =	shalt  }
0x65: {  	_ =	shalt  }
0x66: {  	_ =	shalt  }
0x67: {  	_ =	shalt  }
0x68: {  	_ =	shalt  }
0x69: {  	_ =	shalt  }
0x6a: {  	_ =	shalt  }
0x6b: {  	_ =	shalt  }
0x6c: {  	_ =	shalt  }
0x6d: {  	_ =	shalt  }
0x6e: {  	_ =	shalt  }
0x6f: {  	_ =	shalt  }
0x70: {  	_ =	shalt  }
0x71: {  	_ =	shalt  }
0x72: {  	_ =	shalt  }
0x73: {  	_ =	shalt  }
0x74: {  	_ =	shalt  }
0x75: {  	_ =	shalt  }
0x76: {  	_ =	shalt  }
0x77: {  	_ =	shalt  }
0x78: {  	_ =	shalt  }
0x79: {  	_ =	shalt  }
0x7a: {  	_ =	shalt  }
0x7b: {  	_ =	shalt  }
0x7c: {  	_ =	shalt  }
0x7d: {  	_ =	shalt  }
0x7e: {  	_ =	shalt  }
0x7f: {  	_ =	shalt  }
0x80: {  	_ =	shalt  }
0x81: {  	_ =	shalt  }
0x82: {  	_ =	shalt  }
0x83: {  	_ =	shalt  }
0x84: {  	_ =	shalt  }
0x85: {  	_ =	shalt  }
0x86: {  	_ =	shalt  }
0x87: {  	_ =	shalt  }
.Lfunc_end0:
.L_simem_size_0:
called_computation.1_lowered:
.L_overlay_start_0:
0x88: {  	s2 =	sld [smem:$0x3FD9]  }
0x89: {  	s3 =	sld [smem:$0x3FFE];
	_ =	sdelay $0x1  }
0x8a: {  	s1 =	srdreg.scid  }
0x8b: {  	s0 =	sand.u32 $0x1, s1  }
0x8c: {  	s17 =	sshll.u32 s0, $0xA;
	s2 =	sadd.s32 s3, s2  }
0x8d: {  	s2 =	sadd.s32 s2, s17  }
0x8e: {  	[smem:$0x3FBD] =	sst s2  }
0x8f: {  	_ = 	snop  }
0x90: {  	s2 =	sld [smem:$0x3FD0];
	(tm) =	ssettm $0x1  }
0x91: {  	s18 =	sld [smem:$0x3FFB];
	_ =	sdelay $0x3  }
0x92: {  	_ =	strace s18  }
0x93: {  	s3 =	sld [smem:$0x3FFC];
	_ =	sdelay $0x3  }
0x94: {  	_ =	strace s3  }
0x95: {  	s3 =	sld [smem:$0x3FFD];
	_ =	sdelay $0x3  }
0x96: {  	_ =	strace s3  }
0x97: {  	_ =	strace $0x8FFFFFFF  }
0x98: {  	s19 =	sld [smem:$0x3FDB];
	_ =	sdelay $0x1  }
0x99: {  	s4 =	simm.s32 $_scs_section_size  }
0x9a: {  	s5 =	simm.s32 $_size__tile_overlayer_lowered;
	s6 =	simm.s32 $_tile_overlayer_lowered  }
0x9b: {  	s22 =	simm.s32 $0x1BFF;
	s21 =	sshll.u32 s6, $0x1;
	s3 =	sadd.s32 s4, s19  }
0x9c: {  	s7 =	simm.s32 $0x0;
	s20 =	sshll.u32 s5, $0x1;
	s5 =	sadd.s32 s21, s3  }
0x9d: {  	[timem:s7], [sflag:s22] =	dma.local [hbm:s5], s20  }
0x9e: {  	_ =	swait.ge [sflag:s22], s20  }
0x9f: {  	s4 =	ssub.s32 $0x0, s20;
	[sflag:s22] =	ssyncset.done $0x0  }
0xa0: {  	[sflag:s22] =	ssyncadd.s32 s4;
	_ =	sdelay $0x1  }
0xa1: {  	s23 =	simm.s32 $0x1B8B  }
0xa2: {  	_ =	swait.ge [sflag:s23], $0x1  }
0xa3: {  	[sflag:s23] =	ssyncset.done $0x0  }
0xa4: {  	s25 =	simm.s32 $0x1B8E;
	s24 =	sld [smem:$0x3FFE];
	[sflag:s23] =	ssyncadd.s32 $0xFFFFFFFF  }
0xa5: {  	s26 =	simm.s32 $execute0_lowered;
	[smem:$0x3FD2] =	sst s25  }
0xa6: {  	s5 =	sshll.u32 s26, $0x1;
	_ =	strace $0x80000046;
	[dreg:$0x1] =	wrdreg $0xFFFFFFFF  }
0xa7: {  	s28 =	simm.s32 $_size_execute0_lowered;
	s3 =	sadd.s32 s3, s5;
	[dreg:$0x0] =	wrdreg $0x0  }
0xa8: {  	s5 =	sshll.u32 s28, $0x1;
	[dreg:$0x2] =	wrdreg s3  }
0xa9: {  	[dreg:$0x3] =	wrdreg s5  }
0xaa: {  	[dreg:$0x4] =	wrdreg $0xC0  }
0xab: {  	_ =	task [dreg:s7], $0x5FFFF  }
0xac: {  	[dreg:$0x1] =	wrdreg $0xFFFFFFFF  }
0xad: {  	[dreg:$0x0] =	wrdreg $0x60  }
0xae: {  	[dreg:$0x2] =	wrdreg s24  }
0xaf: {  	[dreg:$0x3] =	wrdreg s2  }
0xb0: {  	[dreg:$0x4] =	wrdreg $0x9  }
0xb1: {  	_ =	task.clear_ibuf [dreg:s7], $0x5FFFF;
	_ =	strace $0x90000046  }
0xb2: {  	s29 =	simm.s32 $0x9;
	_ =	strace $0x80000048  }
0xb3: {  	_ =	swait.ge [sflag:s29], $0x1  }
0xb4: {  	[sflag:s29] =	ssyncadd.s32 $0xFFFFFFFF  }
0xb5: {  	_ =	strace $0x90000048  }
0xb6: {  	_ =	sfence  }
0xb7: {  	s30 =	sld [smem:$0x0];
	_ =	sdelay $0x2  }
0xb8: {  	s31 =	sshll.u32 s1, $0xD;
	s1 =	sshrl.u32 s1, $0x2  }
0xb9: {  	s3 =	sand.u32 $0x4000, s31;
	s1 =	sadd.s32 s1, s30  }
0xba: {  	s0 =	sor.u32 s3, s0;
	s1 =	sshll.u32 s1, $0x11  }
0xbb: {  	s0 =	sor.u32 s1, s0  }
0xbc: {  	s0 =	sadd.s32 $0x8F2B, s0  }
0xbd: {  	[sflag:s0] =	ssyncadd.remote.s32 $0x1  }
0xbe: {  	_ =	sfence.sel $0xFFFF  }
0xbf: {  	[dreg:$0x0] =	wrdreg $0xFFFFFFFF;
	(pc) =	sbr.abs _section_cstart, $3  }
0xc0: {  	[dreg:$0x1] =	wrdreg $0xFFFFFFFF  }
0xc1: {  	_ =	task.clear_ibuf [dreg:s7], $0x2FFFF;
	_ =	strace $0x9FFFFFFF  }
0xc2: {  	(tm) =	ssettm $0x7FFFFFFF  }
0xc3: {  	_ =	shalt  }
tec
execute0_lowered:
.L_overlay_start_1:
0x0: {  	(tag) =	ssettag $0x1  }
0x1: {  	s0 =	srdreg.scid;
	s2 =	stileid.u32  }
0x2: {  	s1 =	rddreg [dreg:$0x0];
	s23 =	simm.s32 $0x1;
	s24 =	simm.s32 $0x28  }
0x3: {  	s28 =	simm.s32 $0xF500;
	s29 =	simm.s32 $0x12480;
	s30 =	simm.s32 $0x15400  }
0x4: {  	s31 =	simm.s32 $0x18380;
	s18 =	simm.s32 $0x0;
	s0 =	sand.u32 $0x1, s0  }
0x5: {  	s3 =	sshll.u32 s2, $0x1;
	s2 =	rddreg [dreg:$0x1];
	s6 =	sadd.s32 $0x800, s1  }
0x6: {  	s7 =	sadd.s32 $0x2800, s1;
	s8 =	sadd.s32 $0x4600, s1;
	s9 =	sadd.s32 $0x6400, s1  }
0x7: {  	s4 =	sor.u32 s0, s3;
	s3 =	simm.s32 $0x0;
	s0 =	ssub.s32 $0x2, s0  }
0x8: {  	s4 =	smul.u32 $0x1900, s4;
	[smem:$0x7FF] =	sst s3;
	s25 =	sshrl.u32 s0, $0x1  }
0x9: {  	s10 =	sadd.s32 $0x2DA00, s1;
	_ =	strace $0x80000047;
	s0 =	ssub.s32 s0, s25  }
0xa: {  	s25 =	simm.s32 $0x9600;
	s5 =	sshrl.u32 s4, $0x3;
	s17 =	smax.u32 s0, $0x1  }
0xb: {  	s0 =	simm.s32 $0x2;
	s11 =	sadd.s32 s5, s1;
	s5 =	sadd.s32 $0xA00, s1  }
0xc: {  	s1 =	simm.s32 $0x1B300;
	s26 =	sadd.s32 $0x8200, s11;
	s12 =	sadd.s32 $0x27600, s11  }
0xd: {  	s13 =	sadd.s32 $0xE600, s11;
	s14 =	sadd.s32 $0x14A00, s11;
	s15 =	sadd.s32 $0x1AE00, s11  }
0xe: {  	s16 =	sadd.s32 $0x21200, s11;
	[dreg:$0x3] =	wrdreg s26;
	s26 =	simm.s32 $0xC580  }
.LBB2_1:
0xf: {  	s11 =	rddreg [dreg:$0x3]  }
0x10: {  	[tilespmem:s3], [sflag:$0x1] =	stream.linear.gather [hbm4b:s11+s3], $0x1900, $0x38;
	[tilespmem:$0x1E280] =	vst v63  }
0x11: {  	s22 =	simm.s32 $0x1900  }
0x12: {  	[tilespmem:s22], [sflag:$0x1] =	stream.linear.gather [hbm4b:s12+s3], $0x1900, $0x38;
	[tilespmem:$0x1E280] =	vst v63  }
0x13: {  	s19 =	simm.s32 $0x3200  }
0x14: {  	[tilespmem:s19], [sflag:$0x1] =	stream.linear.gather [hbm4b:s13+s3], $0x1900, $0x38;
	[tilespmem:$0x1E280] =	vst v63  }
0x15: {  	s20 =	simm.s32 $0x4B00  }
0x16: {  	[tilespmem:s20], [sflag:$0x1] =	stream.linear.gather [hbm4b:s14+s3], $0x1900, $0x38;
	[tilespmem:$0x1E280] =	vst v63  }
0x17: {  	s21 =	simm.s32 $0x6400  }
0x18: {  	[tilespmem:s21], [sflag:$0x1] =	stream.linear.gather [hbm4b:s15+s3], $0x1900, $0x38;
	[tilespmem:$0x1E280] =	vst v63  }
0x19: {  	s22 =	simm.s32 $0x7D00  }
0x1a: {  	[tilespmem:s22], [sflag:$0x1] =	stream.linear.gather [hbm4b:s16+s3], $0x1900, $0x38;
	[tilespmem:$0x1E280] =	vst v63  }
0x1b: {  	_ =	swait.ge [sflag:s23], $0x1900  }
0x1c: {  	[sflag:s23] =	ssyncset.done $0x0  }
0x1d: {  	[sflag:s23] =	ssyncadd.s32 $0xFFFFE700  }
0x1e: {  	_ =	swait.ge [sflag:s23], $0x1900  }
0x1f: {  	[sflag:s23] =	ssyncset.done $0x0  }
0x20: {  	[sflag:s23] =	ssyncadd.s32 $0xFFFFE700  }
0x21: {  	_ =	swait.ge [sflag:s23], $0x1900  }
0x22: {  	[sflag:s23] =	ssyncset.done $0x0  }
0x23: {  	[sflag:s23] =	ssyncadd.s32 $0xFFFFE700  }
0x24: {  	_ =	swait.ge [sflag:s23], $0x1900  }
0x25: {  	[sflag:s23] =	ssyncset.done $0x0  }
0x26: {  	[sflag:s23] =	ssyncadd.s32 $0xFFFFE700  }
0x27: {  	_ =	swait.ge [sflag:s23], $0x1900  }
0x28: {  	[sflag:s23] =	ssyncset.done $0x0  }
0x29: {  	[sflag:s23] =	ssyncadd.s32 $0xFFFFE700  }
0x2a: {  	_ =	swait.ge [sflag:s23], $0x1900  }
0x2b: {  	[sflag:s23] =	ssyncset.done $0x0  }
0x2c: {  	s19 =	simm.s32 $0x0;
	[sflag:s23] =	ssyncadd.s32 $0xFFFFE700  }
.LBB2_2:
0x2d: {  	s20 =	smul.u32 $0x28, s19;
	_ =	sdelay $0x1  }
0x2e: {  	[tilespmem:s25], [sflag:$0x1] =	stream.indirect.gather [hbm4b:s2+s24], $0x130, s20, s24, $0xb8;
	[tilespmem:$0x1E280] =	vst v63  }
0x2f: {  	s11 =	sadd.s32 $0x1900, s20  }
0x30: {  	[tilespmem:s26], [sflag:$0x1] =	stream.indirect.gather [hbm4b:s5+s24], $0x130, s11, s24, $0xb8;
	[tilespmem:$0x1E280] =	vst v63  }
0x31: {  	s21 =	sadd.s32 $0x3200, s20  }
0x32: {  	[tilespmem:s28], [sflag:$0x1] =	stream.indirect.gather [hbm4b:s6+s24], $0x130, s21, s24, $0xb8;
	[tilespmem:$0x1E280] =	vst v63  }
0x33: {  	s22 =	sadd.s32 $0x4B00, s20  }
0x34: {  	[tilespmem:s29], [sflag:$0x1] =	stream.indirect.gather [hbm4b:s7+s24], $0x130, s22, s24, $0xb8;
	[tilespmem:$0x1E280] =	vst v63  }
0x35: {  	s21 =	sadd.s32 $0x6400, s20  }
0x36: {  	[tilespmem:s30], [sflag:$0x1] =	stream.indirect.gather [hbm4b:s8+s24], $0x130, s21, s24, $0xb8;
	[tilespmem:$0x1E280] =	vst v63  }
0x37: {  	s22 =	sadd.s32 $0x7D00, s20  }
0x38: {  	[tilespmem:s31], [sflag:$0x1] =	stream.indirect.gather [hbm4b:s9+s24], $0x130, s22, s24, $0xb8;
	[tilespmem:$0x1E280] =	vst v63  }
0x39: {  	_ =	swait.ge [sflag:s23], $0x2F80  }
0x3a: {  	[sflag:s23] =	ssyncset.done $0x0  }
0x3b: {  	[sflag:s23] =	ssyncadd.s32 $0xFFFFD080  }
0x3c: {  	_ =	swait.ge [sflag:s23], $0x2F80  }
0x3d: {  	[sflag:s23] =	ssyncset.done $0x0  }
0x3e: {  	[sflag:s23] =	ssyncadd.s32 $0xFFFFD080  }
0x3f: {  	_ =	swait.ge [sflag:s23], $0x2F80  }
0x40: {  	[sflag:s23] =	ssyncset.done $0x0  }
0x41: {  	[sflag:s23] =	ssyncadd.s32 $0xFFFFD080  }
0x42: {  	_ =	swait.ge [sflag:s23], $0x2F80  }
0x43: {  	[sflag:s23] =	ssyncset.done $0x0  }
0x44: {  	[sflag:s23] =	ssyncadd.s32 $0xFFFFD080  }
0x45: {  	_ =	swait.ge [sflag:s23], $0x2F80  }
0x46: {  	[sflag:s23] =	ssyncset.done $0x0  }
0x47: {  	[sflag:s23] =	ssyncadd.s32 $0xFFFFD080  }
0x48: {  	_ =	swait.ge [sflag:s23], $0x2F80  }
0x49: {  	[sflag:s23] =	ssyncset.done $0x0  }
0x4a: {  	s21 =	simm.s32 $0x0;
	[sflag:s23] =	ssyncadd.s32 $0xFFFFD080  }
0x4b: {  	v0 =	vld [tilespmem:s21+$0x9710]  }
0x4c: {  	v1 =	vld [tilespmem:s21+$0xC690]  }
0x4d: {  	v2 =	vld [tilespmem:s21+$0x971C]  }
0x4e: {  	v3 =	vld [tilespmem:s21+$0xC69C]  }
0x4f: {  	v4 =	vld [tilespmem:s21+$0xF610]  }
0x50: {  	v5 =	vld [tilespmem:s21+$0xF61C]  }
0x51: {  	v6 =	vld [tilespmem:s21+$0x12590]  }
0x52: {  	v7 =	vld [tilespmem:s21+$0x1259C]  }
0x53: {  	v8 =	vld [tilespmem:s21+$0x1551C]  }
0x54: {  	v48 =	vld [tilespmem:s21+$0x9600]  }
0x55: {  	v47 =	vld [tilespmem:s21+$0xC580]  }
0x56: {  	v46 =	vld [tilespmem:s21+$0x9610]  }
0x57: {  	v45 =	vld [tilespmem:s21+$0xC590]  }
0x58: {  	v42 =	vld [tilespmem:s21+$0x9620]  }
0x59: {  	v41 =	vld [tilespmem:s21+$0xC5A0]  }
0x5a: {  	v40 =	vld [tilespmem:s21+$0x9630]  }
0x5b: {  	v9 =	vld [tilespmem:s21+$0xC5C0]  }
0x5c: {  	v10 =	vld [tilespmem:s21+$0x9650]  }
0x5d: {  	v11 =	vld [tilespmem:s21+$0xC5D0]  }
0x5e: {  	v12 =	vld [tilespmem:s21+$0x9660]  }
0x5f: {  	v13 =	vld [tilespmem:s21+$0xC5E0]  }
0x60: {  	v14 =	vld [tilespmem:s21+$0x9670]  }
0x61: {  	v15 =	vld [tilespmem:s21+$0xC5F0]  }
0x62: {  	v16 =	vld [tilespmem:s21+$0x9680]  }
0x63: {  	v17 =	vld [tilespmem:s21+$0xC600]  }
0x64: {  	v18 =	vld [tilespmem:s21+$0x9690]  }
0x65: {  	v19 =	vld [tilespmem:s21+$0xC610]  }
0x66: {  	v20 =	vld [tilespmem:s21+$0x96A0]  }
0x67: {  	v21 =	vld [tilespmem:s21+$0xC620]  }
0x68: {  	v22 =	vld [tilespmem:s21+$0x96B0]  }
0x69: {  	v23 =	vld [tilespmem:s21+$0xC630]  }
0x6a: {  	v24 =	vld [tilespmem:s21+$0x96C0];
	v0 =	vadd.f32 v1, v0  }
0x6b: {  	v1 =	vld [tilespmem:s21+$0x15510]  }
0x6c: {  	v25 =	vld [tilespmem:s21+$0xC640];
	v0 =	vadd.f32 v4, v0  }
0x6d: {  	v2 =	vadd.f32 v3, v2;
	v3 =	vld [tilespmem:s21+$0x18490]  }
0x6e: {  	v26 =	vld [tilespmem:s21+$0x96D0];
	v0 =	vadd.f32 v6, v0  }
0x6f: {  	v27 =	vld [tilespmem:s21+$0xC650]  }
0x70: {  	v28 =	vld [tilespmem:s21+$0x96E0];
	v0 =	vadd.f32 v1, v0  }
0x71: {  	v29 =	vld [tilespmem:s21+$0xC660]  }
0x72: {  	v30 =	vld [tilespmem:s21+$0x96F0];
	v0 =	vadd.f32 v3, v0  }
0x73: {  	v31 =	vld [tilespmem:s21+$0xC670]  }
0x74: {  	[tilespmem:s21+$0x1B410] =	vst v0;
	v0 =	vld [tilespmem:s21+$0xF5C0]  }
0x75: {  	v32 =	vld [tilespmem:s21+$0x9700]  }
0x76: {  	v33 =	vld [tilespmem:s21+$0xC680]  }
0x77: {  	v34 =	vld [tilespmem:s21+$0xF500]  }
0x78: {  	v35 =	vld [tilespmem:s21+$0xF510]  }
0x79: {  	[tilespmem:$0x1FF40] =	vst v0;
	v0 =	vld [tilespmem:s21+$0xF5D0]  }
0x7a: {  	v36 =	vld [tilespmem:s21+$0xF520]  }
0x7b: {  	v37 =	vld [tilespmem:s21+$0xF530]  }
0x7c: {  	v38 =	vld [tilespmem:s21+$0xF540]  }
0x7d: {  	v39 =	vld [tilespmem:s21+$0xF550]  }
0x7e: {  	[tilespmem:$0x1FF50] =	vst v0;
	v0 =	vld [tilespmem:s21+$0xF5E0]  }
0x7f: {  	v44 =	vld [tilespmem:s21+$0xF560]  }
0x80: {  	v49 =	vld [tilespmem:s21+$0xF570]  }
0x81: {  	v50 =	vld [tilespmem:s21+$0xF580]  }
0x82: {  	v60 =	vld [tilespmem:s21+$0xF590]  }
0x83: {  	[tilespmem:$0x1FF60] =	vst v0;
	v0 =	vld [tilespmem:s21+$0xF5F0]  }
0x84: {  	v62 =	vld [tilespmem:s21+$0xF5A0]  }
0x85: {  	v63 =	vld [tilespmem:s21+$0xF5B0]  }
0x86: {  	v51 =	vld [tilespmem:s21+$0x12480]  }
0x87: {  	v52 =	vld [tilespmem:s21+$0x12490]  }
0x88: {  	[tilespmem:$0x1FF70] =	vst v0;
	v0 =	vld [tilespmem:s21+$0xF600]  }
0x89: {  	v53 =	vld [tilespmem:s21+$0x124A0]  }
0x8a: {  	v54 =	vld [tilespmem:s21+$0x124B0]  }
0x8b: {  	v55 =	vld [tilespmem:s21+$0x124C0]  }
0x8c: {  	v56 =	vld [tilespmem:s21+$0x124D0]  }
0x8d: {  	[tilespmem:$0x1FF90] =	vst v0;
	v0 =	vld [tilespmem:s21+$0x12520]  }
0x8e: {  	v57 =	vld [tilespmem:s21+$0x124E0]  }
0x8f: {  	v58 =	vld [tilespmem:s21+$0x124F0]  }
0x90: {  	v59 =	vld [tilespmem:s21+$0x12500]  }
0x91: {  	v61 =	vld [tilespmem:s21+$0x12510]  }
0x92: {  	[tilespmem:$0x1FF80] =	vst v0;
	v0 =	vld [tilespmem:s21+$0x12530]  }
0x93: {  	v43 =	vld [tilespmem:s21+$0x15470]  }
0x94: {  	v47 =	vadd.f32 v47, v48;
	v48 =	vld [tilespmem:s21+$0x15480]  }
0x95: {  	v41 =	vadd.f32 v41, v42;
	v42 =	vld [tilespmem:s21+$0x15490]  }
0x96: {  	v10 =	vadd.f32 v11, v10;
	v11 =	vadd.f32 v13, v12;
	v12 =	vld [tilespmem:s21+$0x154B0]  }
0x97: {  	[tilespmem:$0x1FFA0] =	vst v0;
	v0 =	vld [tilespmem:s21+$0x12540]  }
0x98: {  	v13 =	vadd.f32 v15, v14;
	v15 =	vld [tilespmem:s21+$0x154C0]  }
0x99: {  	v14 =	vadd.f32 v17, v16;
	v16 =	vadd.f32 v19, v18;
	v18 =	vld [tilespmem:s21+$0x154D0]  }
0x9a: {  	v17 =	vadd.f32 v21, v20;
	v21 =	vld [tilespmem:s21+$0x154E0]  }
0x9b: {  	v20 =	vadd.f32 v25, v24;
	v24 =	vld [tilespmem:s21+$0x154F0]  }
0x9c: {  	[tilespmem:$0x1FFB0] =	vst v0;
	v0 =	vld [tilespmem:s21+$0x12550]  }
0x9d: {  	v45 =	vadd.f32 v45, v46;
	v46 =	vld [tilespmem:s21+$0x18390];
	v2 =	vadd.f32 v5, v2  }
0x9e: {  	v4 =	vld [tilespmem:s21+$0x1849C]  }
0x9f: {  	v2 =	vadd.f32 v7, v2;
	v7 =	vld [tilespmem:s21+$0xC5B0]  }
0xa0: {  	v1 =	vld [tilespmem:s21+$0x15410]  }
0xa1: {  	v19 =	vadd.f32 v23, v22;
	[tilespmem:$0x1FFC0] =	vst v0;
	v0 =	vld [tilespmem:s21+$0x12560]  }
0xa2: {  	v23 =	vadd.f32 v29, v28;
	v5 =	vld [tilespmem:s21+$0x15450];
	v29 =	vadd.f32 v35, v45  }
0xa3: {  	v34 =	vadd.f32 v34, v47;
	v47 =	vld [tilespmem:s21+$0x183A0]  }
0xa4: {  	v29 =	vadd.f32 v52, v29;
	v2 =	vadd.f32 v8, v2;
	v8 =	vld [tilespmem:s21+$0x9640]  }
0xa5: {  	v22 =	vadd.f32 v27, v26;
	v25 =	vadd.f32 v31, v30;
	v6 =	vld [tilespmem:s21+$0x15460]  }
0xa6: {  	v7 =	vadd.f32 v7, v40;
	v1 =	vadd.f32 v1, v29;
	[tilespmem:$0x1FFD0] =	vst v0;
	v0 =	vld [tilespmem:s21+$0x12570]  }
0xa7: {  	v26 =	vadd.f32 v51, v34;
	v2 =	vadd.f32 v4, v2;
	v3 =	vld [tilespmem:s21+$0x15430]  }
0xa8: {  	v51 =	vld [tilespmem:s21+$0x183B0];
	v7 =	vadd.f32 v37, v7;
	v1 =	vadd.f32 v46, v1  }
0xa9: {  	v45 =	vadd.f32 v36, v41;
	v4 =	vld [tilespmem:s21+$0x15440];
	[tilespmem:s21+$0x1B41C] =	vst v2;
	v8 =	vadd.f32 v9, v8  }
0xaa: {  	v10 =	vadd.f32 v39, v10;
	v2 =	vld [tilespmem:s21+$0x15420];
	v7 =	vadd.f32 v54, v7;
	[tilespmem:s21+$0x1B310] =	vst v1  }
0xab: {  	v8 =	vadd.f32 v38, v8;
	v1 =	vadd.f32 v50, v14;
	[tilespmem:$0x1FFE0] =	vst v0;
	v0 =	vld [tilespmem:s21+$0x12580]  }
0xac: {  	v3 =	vadd.f32 v3, v7;
	v7 =	vadd.f32 v56, v10;
	v10 =	vld [tilespmem:s21+$0x18400]  }
0xad: {  	v31 =	vadd.f32 v53, v45;
	v52 =	vld [tilespmem:s21+$0x183C0];
	v1 =	vadd.f32 v59, v1  }
0xae: {  	v11 =	vadd.f32 v44, v11;
	v53 =	vld [tilespmem:s21+$0x183D0];
	v8 =	vadd.f32 v55, v8  }
0xaf: {  	v40 =	vld [tilespmem:s21+$0x18380];
	v2 =	vadd.f32 v2, v31;
	v1 =	vadd.f32 v48, v1  }
0xb0: {  	v4 =	vadd.f32 v4, v8;
	v3 =	vadd.f32 v51, v3;
	[tilespmem:$0x1FFF0] =	vst v0;
	v0 =	vld [tilespmem:s21+$0x15400]  }
0xb1: {  	v8 =	vadd.f32 v57, v11;
	v1 =	vadd.f32 v10, v1;
	v10 =	vld [tilespmem:$0x1FF80]  }
0xb2: {  	v9 =	vld [tilespmem:s21+$0x154A0];
	v5 =	vadd.f32 v5, v7;
	v2 =	vadd.f32 v47, v2;
	[tilespmem:s21+$0x1B330] =	vst v3  }
0xb3: {  	v4 =	vadd.f32 v52, v4;
	v3 =	vadd.f32 v62, v17;
	[tilespmem:s21+$0x1B380] =	vst v1;
	v1 =	vld [tilespmem:$0x1FFA0]  }
0xb4: {  	v54 =	vld [tilespmem:s21+$0x183E0];
	v6 =	vadd.f32 v6, v8;
	v5 =	vadd.f32 v53, v5;
	[tilespmem:s21+$0x1B320] =	vst v2  }
0xb5: {  	v27 =	vld [tilespmem:s21+$0x15500];
	v2 =	vadd.f32 v60, v16;
	[tilespmem:s21+$0x1B340] =	vst v4;
	v0 =	vadd.f32 v0, v26  }
0xb6: {  	v4 =	vadd.f32 v63, v19;
	[tilespmem:s21+$0x1B350] =	vst v5;
	v5 =	vld [tilespmem:$0x1FF40];
	v3 =	vadd.f32 v10, v3  }
0xb7: {  	v11 =	vld [tilespmem:s21+$0x18410];
	v2 =	vadd.f32 v61, v2;
	v0 =	vadd.f32 v40, v0  }
0xb8: {  	v1 =	vadd.f32 v1, v4;
	v4 =	vadd.f32 v9, v3;
	v9 =	vld [tilespmem:$0x1FFB0]  }
0xb9: {  	v55 =	vld [tilespmem:s21+$0x183F0];
	v6 =	vadd.f32 v54, v6;
	[tilespmem:s21+$0x1B300] =	vst v0;
	v0 =	vadd.f32 v49, v13  }
0xba: {  	v7 =	vld [tilespmem:s21+$0x18420];
	v2 =	vadd.f32 v42, v2  }
0xbb: {  	[tilespmem:s21+$0x1B360] =	vst v6;
	v6 =	vld [tilespmem:$0x1FF50];
	v5 =	vadd.f32 v5, v20;
	v0 =	vadd.f32 v58, v0  }
0xbc: {  	v61 =	vld [tilespmem:$0x1FF60];
	v2 =	vadd.f32 v11, v2  }
0xbd: {  	v5 =	vadd.f32 v9, v5;
	v9 =	vld [tilespmem:$0x1FFC0];
	v0 =	vadd.f32 v43, v0  }
0xbe: {  	[tilespmem:s21+$0x1B390] =	vst v2;
	v2 =	vld [tilespmem:$0x1FFD0]  }
0xbf: {  	v8 =	vld [tilespmem:s21+$0x18430];
	v0 =	vadd.f32 v55, v0  }
0xc0: {  	v63 =	vld [tilespmem:$0x1FF90]  }
0xc1: {  	v6 =	vadd.f32 v6, v22;
	v13 =	vadd.f32 v61, v23;
	[tilespmem:s21+$0x1B370] =	vst v0;
	v0 =	vld [tilespmem:$0x1FF70]  }
0xc2: {  	v60 =	vld [tilespmem:s21+$0x18440]  }
0xc3: {  	v6 =	vadd.f32 v9, v6;
	v9 =	vadd.f32 v2, v13;
	v2 =	vld [tilespmem:$0x1FFE0]  }
0xc4: {  	v28 =	vadd.f32 v33, v32;
	v11 =	vadd.f32 v15, v5;
	v5 =	vld [tilespmem:$0x1FFF0]  }
0xc5: {  	v62 =	vld [tilespmem:s21+$0x18450];
	v1 =	vadd.f32 v12, v1  }
0xc6: {  	v17 =	vadd.f32 v63, v28;
	v10 =	vld [tilespmem:s21+$0x18460];
	v0 =	vadd.f32 v0, v25  }
0xc7: {  	v3 =	vld [tilespmem:s21+$0x18470];
	v7 =	vadd.f32 v7, v4;
	v1 =	vadd.f32 v8, v1  }
0xc8: {  	s11 =	simm.s32 $0x130;
	v4 =	vld [tilespmem:s21+$0x18480];
	v11 =	vadd.f32 v60, v11;
	v0 =	vadd.f32 v2, v0  }
0xc9: {  	v8 =	vadd.f32 v18, v6;
	v2 =	vld [tilespmem:s11+$0x9710];
	[tilespmem:s21+$0x1B3A0] =	vst v7;
	v7 =	vadd.f32 v5, v17  }
0xca: {  	v9 =	vadd.f32 v21, v9;
	v5 =	vld [tilespmem:s11+$0xC690];
	[tilespmem:s21+$0x1B3B0] =	vst v1;
	v1 =	vadd.f32 v24, v0  }
0xcb: {  	v0 =	vadd.f32 v27, v7;
	v7 =	vadd.f32 v62, v8  }
0xcc: {  	s22 =	simm.s32 $0x980;
	v6 =	vld [tilespmem:s11+$0x971C];
	[tilespmem:s21+$0x1B3C0] =	vst v11;
	v8 =	vadd.f32 v10, v9  }
.LBB2_3:
0xcd: {  	p0 =	sne.s32 s22, $0xB940;
	v9 =	vld [tilespmem:s11+$0xC69C];
	[tilespmem:s21+$0x1B3D0] =	vst v7;
	v1 =	vadd.f32 v3, v1  }
0xce: {  	v3 =	vld [tilespmem:s11+$0xF610];
	[tilespmem:s21+$0x1B3E0] =	vst v8;
	v0 =	vadd.f32 v4, v0  }
0xcf: {  	v4 =	vld [tilespmem:s11+$0xF61C];
	[tilespmem:s21+$0x1B3F0] =	vst v1  }
0xd0: {  	v1 =	vld [tilespmem:s11+$0x12590];
	[tilespmem:s21+$0x1B400] =	vst v0;
	s21 =	smov.u32 s11  }
0xd1: {  	v0 =	vadd.f32 v5, v2;
	v2 =	vld [tilespmem:s21+$0x1259C]  }
0xd2: {  	v5 =	vld [tilespmem:s21+$0x15510];
	v6 =	vadd.f32 v9, v6  }
0xd3: {  	v0 =	vadd.f32 v3, v0;
	v3 =	vld [tilespmem:s21+$0x1551C]  }
0xd4: {  	v7 =	vld [tilespmem:s21+$0x18490];
	v4 =	vadd.f32 v4, v6  }
0xd5: {  	v0 =	vadd.f32 v1, v0;
	v1 =	vld [tilespmem:s21+$0x1849C]  }
0xd6: {  	v6 =	vld [tilespmem:s21+$0x9600];
	v2 =	vadd.f32 v2, v4  }
0xd7: {  	v4 =	vld [tilespmem:s21+$0xC580];
	v0 =	vadd.f32 v5, v0  }
0xd8: {  	v5 =	vld [tilespmem:s21+$0x9610];
	v2 =	vadd.f32 v3, v2  }
0xd9: {  	v3 =	vld [tilespmem:s21+$0xC590];
	v0 =	vadd.f32 v7, v0  }
0xda: {  	v7 =	vld [tilespmem:s21+$0x9620];
	v1 =	vadd.f32 v1, v2  }
0xdb: {  	v2 =	vld [tilespmem:s21+$0xC5A0];
	[tilespmem:s21+$0x1B410] =	vst v0  }
0xdc: {  	v0 =	vadd.f32 v4, v6;
	v4 =	vld [tilespmem:s21+$0x9630];
	[tilespmem:s21+$0x1B41C] =	vst v1  }
0xdd: {  	v1 =	vld [tilespmem:s21+$0xC5B0]  }
0xde: {  	v3 =	vadd.f32 v3, v5;
	v5 =	vld [tilespmem:s21+$0x9640]  }
0xdf: {  	v6 =	vld [tilespmem:s21+$0xC5C0]  }
0xe0: {  	v2 =	vadd.f32 v2, v7;
	v7 =	vld [tilespmem:s21+$0x9650]  }
0xe1: {  	v8 =	vld [tilespmem:s21+$0xC5D0]  }
0xe2: {  	v1 =	vadd.f32 v1, v4;
	v4 =	vld [tilespmem:s21+$0x9660]  }
0xe3: {  	v9 =	vld [tilespmem:s21+$0xC5E0]  }
0xe4: {  	v5 =	vadd.f32 v6, v5;
	v6 =	vld [tilespmem:s21+$0x9670]  }
0xe5: {  	v10 =	vld [tilespmem:s21+$0xC5F0]  }
0xe6: {  	v7 =	vadd.f32 v8, v7;
	v8 =	vld [tilespmem:s21+$0x9680]  }
0xe7: {  	v11 =	vld [tilespmem:s21+$0xC600]  }
0xe8: {  	v4 =	vadd.f32 v9, v4;
	v9 =	vld [tilespmem:s21+$0x9690]  }
0xe9: {  	v12 =	vld [tilespmem:s21+$0xC610]  }
0xea: {  	v6 =	vadd.f32 v10, v6;
	v10 =	vld [tilespmem:s21+$0x96A0]  }
0xeb: {  	v13 =	vld [tilespmem:s21+$0xC620]  }
0xec: {  	v8 =	vadd.f32 v11, v8;
	v11 =	vld [tilespmem:s21+$0x96B0]  }
0xed: {  	v14 =	vld [tilespmem:s21+$0xC630]  }
0xee: {  	v9 =	vadd.f32 v12, v9;
	v12 =	vld [tilespmem:s21+$0x96C0]  }
0xef: {  	v15 =	vld [tilespmem:s21+$0xC640]  }
0xf0: {  	v10 =	vadd.f32 v13, v10;
	v13 =	vld [tilespmem:s21+$0x96D0]  }
0xf1: {  	v16 =	vld [tilespmem:s21+$0xC650]  }
0xf2: {  	v11 =	vadd.f32 v14, v11;
	v14 =	vld [tilespmem:s21+$0x96E0]  }
0xf3: {  	v17 =	vld [tilespmem:s21+$0xC660]  }
0xf4: {  	v12 =	vadd.f32 v15, v12;
	v15 =	vld [tilespmem:s21+$0x96F0]  }
0xf5: {  	v18 =	vld [tilespmem:s21+$0xC670]  }
0xf6: {  	v13 =	vadd.f32 v16, v13;
	v16 =	vld [tilespmem:s21+$0x9700]  }
0xf7: {  	v19 =	vld [tilespmem:s21+$0xC680]  }
0xf8: {  	v20 =	vld [tilespmem:s21+$0xF500];
	v14 =	vadd.f32 v17, v14  }
0xf9: {  	v17 =	vld [tilespmem:s21+$0xF510]  }
0xfa: {  	v21 =	vld [tilespmem:s21+$0xF520];
	v15 =	vadd.f32 v18, v15  }
0xfb: {  	v18 =	vld [tilespmem:s21+$0xF530]  }
0xfc: {  	v22 =	vld [tilespmem:s21+$0xF540];
	v16 =	vadd.f32 v19, v16  }
0xfd: {  	v0 =	vadd.f32 v20, v0;
	v19 =	vld [tilespmem:s21+$0xF550]  }
0xfe: {  	v3 =	vadd.f32 v17, v3;
	v17 =	vld [tilespmem:s21+$0xF560]  }
0xff: {  	v2 =	vadd.f32 v21, v2;
	v20 =	vld [tilespmem:s21+$0xF570]  }
0x100: {  	v1 =	vadd.f32 v18, v1;
	v18 =	vld [tilespmem:s21+$0xF580]  }
0x101: {  	v5 =	vadd.f32 v22, v5;
	v21 =	vld [tilespmem:s21+$0xF590]  }
0x102: {  	v7 =	vadd.f32 v19, v7;
	v19 =	vld [tilespmem:s21+$0xF5A0]  }
0x103: {  	v4 =	vadd.f32 v17, v4;
	v17 =	vld [tilespmem:s21+$0xF5B0]  }
0x104: {  	v6 =	vadd.f32 v20, v6;
	v20 =	vld [tilespmem:s21+$0xF5C0]  }
0x105: {  	v8 =	vadd.f32 v18, v8;
	v18 =	vld [tilespmem:s21+$0xF5D0]  }
0x106: {  	v9 =	vadd.f32 v21, v9;
	v21 =	vld [tilespmem:s21+$0xF5E0]  }
0x107: {  	v10 =	vadd.f32 v19, v10;
	v19 =	vld [tilespmem:s21+$0xF5F0]  }
0x108: {  	v11 =	vadd.f32 v17, v11;
	v17 =	vld [tilespmem:s21+$0xF600]  }
0x109: {  	v22 =	vld [tilespmem:s21+$0x12480];
	v12 =	vadd.f32 v20, v12  }
0x10a: {  	v20 =	vld [tilespmem:s21+$0x12490];
	v13 =	vadd.f32 v18, v13  }
0x10b: {  	v18 =	vld [tilespmem:s21+$0x124A0];
	v14 =	vadd.f32 v21, v14  }
0x10c: {  	v21 =	vld [tilespmem:s21+$0x124B0];
	v15 =	vadd.f32 v19, v15  }
0x10d: {  	v19 =	vld [tilespmem:s21+$0x124C0];
	v16 =	vadd.f32 v17, v16  }
0x10e: {  	v0 =	vadd.f32 v22, v0;
	v17 =	vld [tilespmem:s21+$0x124D0]  }
0x10f: {  	v3 =	vadd.f32 v20, v3;
	v20 =	vld [tilespmem:s21+$0x124E0]  }
0x110: {  	v2 =	vadd.f32 v18, v2;
	v18 =	vld [tilespmem:s21+$0x124F0]  }
0x111: {  	v1 =	vadd.f32 v21, v1;
	v21 =	vld [tilespmem:s21+$0x12500]  }
0x112: {  	v5 =	vadd.f32 v19, v5;
	v19 =	vld [tilespmem:s21+$0x12510]  }
0x113: {  	v7 =	vadd.f32 v17, v7;
	v17 =	vld [tilespmem:s21+$0x12520]  }
0x114: {  	v4 =	vadd.f32 v20, v4;
	v20 =	vld [tilespmem:s21+$0x12530]  }
0x115: {  	v6 =	vadd.f32 v18, v6;
	v18 =	vld [tilespmem:s21+$0x12540]  }
0x116: {  	v8 =	vadd.f32 v21, v8;
	v21 =	vld [tilespmem:s21+$0x12550]  }
0x117: {  	v9 =	vadd.f32 v19, v9;
	v19 =	vld [tilespmem:s21+$0x12560]  }
0x118: {  	v10 =	vadd.f32 v17, v10;
	v17 =	vld [tilespmem:s21+$0x12570]  }
0x119: {  	v11 =	vadd.f32 v20, v11;
	v20 =	vld [tilespmem:s21+$0x12580]  }
0x11a: {  	v22 =	vld [tilespmem:s21+$0x15400];
	v12 =	vadd.f32 v18, v12  }
0x11b: {  	v18 =	vld [tilespmem:s21+$0x15410];
	v13 =	vadd.f32 v21, v13  }
0x11c: {  	v21 =	vld [tilespmem:s21+$0x15420];
	v14 =	vadd.f32 v19, v14  }
0x11d: {  	v19 =	vld [tilespmem:s21+$0x15430];
	v15 =	vadd.f32 v17, v15  }
0x11e: {  	v17 =	vld [tilespmem:s21+$0x15440];
	v16 =	vadd.f32 v20, v16  }
0x11f: {  	v20 =	vadd.f32 v22, v0;
	v0 =	vld [tilespmem:s21+$0x15450]  }
0x120: {  	v3 =	vadd.f32 v18, v3;
	v18 =	vld [tilespmem:s21+$0x15460]  }
0x121: {  	v2 =	vadd.f32 v21, v2;
	v21 =	vld [tilespmem:s21+$0x15470]  }
0x122: {  	v19 =	vadd.f32 v19, v1;
	v1 =	vld [tilespmem:s21+$0x15480]  }
0x123: {  	v5 =	vadd.f32 v17, v5;
	v17 =	vld [tilespmem:s21+$0x15490]  }
0x124: {  	v7 =	vadd.f32 v0, v7;
	v0 =	vld [tilespmem:s21+$0x154A0]  }
0x125: {  	v4 =	vadd.f32 v18, v4;
	v18 =	vld [tilespmem:s21+$0x154B0]  }
0x126: {  	v6 =	vadd.f32 v21, v6;
	v21 =	vld [tilespmem:s21+$0x154C0]  }
0x127: {  	v8 =	vadd.f32 v1, v8;
	v1 =	vld [tilespmem:s21+$0x154D0]  }
0x128: {  	v9 =	vadd.f32 v17, v9;
	v17 =	vld [tilespmem:s21+$0x154E0]  }
0x129: {  	v10 =	vadd.f32 v0, v10;
	v0 =	vld [tilespmem:s21+$0x154F0]  }
0x12a: {  	v11 =	vadd.f32 v18, v11;
	v18 =	vld [tilespmem:s21+$0x15500]  }
0x12b: {  	v22 =	vld [tilespmem:s21+$0x18380];
	v12 =	vadd.f32 v21, v12  }
0x12c: {  	v21 =	vld [tilespmem:s21+$0x18390];
	v13 =	vadd.f32 v1, v13  }
0x12d: {  	v23 =	vld [tilespmem:s21+$0x183A0];
	v14 =	vadd.f32 v17, v14  }
0x12e: {  	v17 =	vld [tilespmem:s21+$0x183B0];
	v1 =	vadd.f32 v0, v15  }
0x12f: {  	v15 =	vld [tilespmem:s21+$0x183C0];
	v0 =	vadd.f32 v18, v16  }
0x130: {  	v16 =	vadd.f32 v22, v20;
	v18 =	vld [tilespmem:s21+$0x183D0]  }
0x131: {  	v3 =	vadd.f32 v21, v3;
	v20 =	vld [tilespmem:s21+$0x183E0]  }
0x132: {  	[tilespmem:s21+$0x1B300] =	vst v16;
	v2 =	vadd.f32 v23, v2;
	v16 =	vld [tilespmem:s21+$0x183F0]  }
0x133: {  	[tilespmem:s21+$0x1B310] =	vst v3;
	v3 =	vadd.f32 v17, v19;
	v17 =	vld [tilespmem:s21+$0x18400]  }
0x134: {  	[tilespmem:s21+$0x1B320] =	vst v2;
	v2 =	vadd.f32 v15, v5;
	v5 =	vld [tilespmem:s21+$0x18410]  }
0x135: {  	[tilespmem:s21+$0x1B330] =	vst v3;
	v3 =	vadd.f32 v18, v7;
	v7 =	vld [tilespmem:s21+$0x18420]  }
0x136: {  	[tilespmem:s21+$0x1B340] =	vst v2;
	v2 =	vadd.f32 v20, v4;
	v4 =	vld [tilespmem:s21+$0x18430]  }
0x137: {  	[tilespmem:s21+$0x1B350] =	vst v3;
	v3 =	vadd.f32 v16, v6;
	v6 =	vld [tilespmem:s21+$0x18440]  }
0x138: {  	[tilespmem:s21+$0x1B360] =	vst v2;
	v2 =	vadd.f32 v17, v8;
	v8 =	vld [tilespmem:s21+$0x18450]  }
0x139: {  	[tilespmem:s21+$0x1B370] =	vst v3;
	v5 =	vadd.f32 v5, v9;
	v9 =	vld [tilespmem:s21+$0x18460]  }
.Ltmp0:
0x13a: {  	[tilespmem:s21+$0x1B380] =	vst v2;
	v7 =	vadd.f32 v7, v10;
	v3 =	vld [tilespmem:s21+$0x18470];
	(pc) =	sbr.rel @p0 .LBB2_3-.Ltmp0, $4  }
0x13b: {  	s11 =	sshra.s32 s22, $0x2;
	[tilespmem:s21+$0x1B390] =	vst v5;
	v10 =	vadd.f32 v4, v11;
	v4 =	vld [tilespmem:s21+$0x18480]  }
0x13c: {  	v2 =	vld [tilespmem:s11+$0x9710];
	[tilespmem:s21+$0x1B3A0] =	vst v7;
	v11 =	vadd.f32 v6, v12  }
0x13d: {  	v5 =	vld [tilespmem:s11+$0xC690];
	[tilespmem:s21+$0x1B3B0] =	vst v10;
	v7 =	vadd.f32 v8, v13  }
0x13e: {  	s22 =	sadd.s32 $0x4C0, s22;
	v6 =	vld [tilespmem:s11+$0x971C];
	[tilespmem:s21+$0x1B3C0] =	vst v11;
	v8 =	vadd.f32 v9, v14  }
0x13f: {  	v9 =	vld [tilespmem:s11+$0xC69C];
	[tilespmem:s21+$0x1B3D0] =	vst v7;
	v1 =	vadd.f32 v3, v1  }
0x140: {  	v7 =	vld [tilespmem:s11+$0xF610];
	[tilespmem:s21+$0x1B3E0] =	vst v8;
	v0 =	vadd.f32 v4, v0  }
0x141: {  	v59 =	vld [tilespmem:s11+$0xF61C];
	[tilespmem:s21+$0x1B3F0] =	vst v1  }
0x142: {  	v1 =	vld [tilespmem:s11+$0x12590];
	[tilespmem:s21+$0x1B400] =	vst v0  }
0x143: {  	v0 =	vld [tilespmem:s11+$0x1259C]  }
0x144: {  	v60 =	vld [tilespmem:s11+$0x15510]  }
0x145: {  	v61 =	vld [tilespmem:s11+$0x1551C]  }
0x146: {  	v62 =	vld [tilespmem:s11+$0x18490]  }
0x147: {  	v8 =	vld [tilespmem:s11+$0x1849C]  }
0x148: {  	v56 =	vld [tilespmem:s11+$0x9600]  }
0x149: {  	v49 =	vld [tilespmem:s11+$0xC580]  }
0x14a: {  	v48 =	vld [tilespmem:s11+$0x9610]  }
0x14b: {  	v47 =	vld [tilespmem:s11+$0xC590]  }
0x14c: {  	v46 =	vld [tilespmem:s11+$0x9620]  }
0x14d: {  	v2 =	vadd.f32 v5, v2;
	v5 =	vld [tilespmem:s11+$0xC5B0]  }
0x14e: {  	v10 =	vld [tilespmem:s11+$0x9650]  }
0x14f: {  	v11 =	vld [tilespmem:s11+$0xC5D0]  }
0x150: {  	v12 =	vld [tilespmem:s11+$0x9660]  }
0x151: {  	v13 =	vld [tilespmem:s11+$0xC5E0]  }
0x152: {  	v14 =	vld [tilespmem:s11+$0x9670]  }
0x153: {  	v15 =	vld [tilespmem:s11+$0xC5F0]  }
0x154: {  	v16 =	vld [tilespmem:s11+$0x9680]  }
0x155: {  	v17 =	vld [tilespmem:s11+$0xC600]  }
0x156: {  	v18 =	vld [tilespmem:s11+$0x9690]  }
0x157: {  	v19 =	vld [tilespmem:s11+$0xC610]  }
0x158: {  	v20 =	vld [tilespmem:s11+$0x96A0]  }
0x159: {  	v21 =	vld [tilespmem:s11+$0xC620]  }
0x15a: {  	v22 =	vld [tilespmem:s11+$0x96B0]  }
0x15b: {  	v23 =	vld [tilespmem:s11+$0xC630]  }
0x15c: {  	v24 =	vld [tilespmem:s11+$0x96C0]  }
0x15d: {  	v25 =	vld [tilespmem:s11+$0xC640]  }
0x15e: {  	v26 =	vld [tilespmem:s11+$0x96D0]  }
0x15f: {  	v27 =	vld [tilespmem:s11+$0xC650]  }
0x160: {  	v28 =	vld [tilespmem:s11+$0x96E0]  }
0x161: {  	v29 =	vld [tilespmem:s11+$0xC660]  }
0x162: {  	v30 =	vld [tilespmem:s11+$0x96F0]  }
0x163: {  	v31 =	vld [tilespmem:s11+$0xC670]  }
0x164: {  	v32 =	vld [tilespmem:s11+$0x9700]  }
0x165: {  	v33 =	vld [tilespmem:s11+$0xC680]  }
0x166: {  	v34 =	vld [tilespmem:s11+$0xF500]  }
0x167: {  	v35 =	vld [tilespmem:s11+$0xF510]  }
0x168: {  	v36 =	vld [tilespmem:s11+$0xF520]  }
0x169: {  	v37 =	vld [tilespmem:s11+$0xF530]  }
0x16a: {  	v38 =	vld [tilespmem:s11+$0xF540]  }
0x16b: {  	v39 =	vld [tilespmem:s11+$0xF550]  }
0x16c: {  	v40 =	vld [tilespmem:s11+$0xF560]  }
0x16d: {  	v41 =	vld [tilespmem:s11+$0xF570]  }
0x16e: {  	v42 =	vld [tilespmem:s11+$0xF580]  }
0x16f: {  	v43 =	vld [tilespmem:s11+$0xF590]  }
0x170: {  	v44 =	vld [tilespmem:s11+$0xF5A0]  }
0x171: {  	v45 =	vld [tilespmem:s11+$0xF5B0]  }
0x172: {  	v50 =	vld [tilespmem:s11+$0xF5C0]  }
0x173: {  	v58 =	vld [tilespmem:s11+$0xF5D0]  }
0x174: {  	v63 =	vld [tilespmem:s11+$0xF600]  }
0x175: {  	v51 =	vld [tilespmem:s11+$0x12480]  }
0x176: {  	v52 =	vld [tilespmem:s11+$0x12490]  }
0x177: {  	v53 =	vld [tilespmem:s11+$0x124A0]  }
0x178: {  	v54 =	vld [tilespmem:s11+$0x124B0]  }
0x179: {  	v55 =	vld [tilespmem:s11+$0x124C0]  }
0x17a: {  	v57 =	vld [tilespmem:s11+$0x124D0]  }
0x17b: {  	v4 =	vld [tilespmem:s11+$0x12510]  }
0x17c: {  	v6 =	vadd.f32 v9, v6;
	v9 =	vld [tilespmem:s11+$0xC5C0]  }
0x17d: {  	v2 =	vadd.f32 v7, v2;
	v7 =	vld [tilespmem:s11+$0xC5A0]  }
0x17e: {  	v3 =	vadd.f32 v59, v6;
	v6 =	vld [tilespmem:s11+$0x9630]  }
0x17f: {  	v59 =	vld [tilespmem:s11+$0x124E0]  }
0x180: {  	v1 =	vadd.f32 v1, v2;
	v2 =	vld [tilespmem:s11+$0x15420]  }
0x181: {  	[tilespmem:$0x1FEB0] =	vst v63;
	v63 =	vld [tilespmem:s11+$0x12500]  }
0x182: {  	[tilespmem:$0x1FEC0] =	vst v4;
	v4 =	vld [tilespmem:s11+$0x12520]  }
0x183: {  	v0 =	vadd.f32 v0, v3;
	v3 =	vld [tilespmem:s11+$0x15430]  }
0x184: {  	v49 =	vadd.f32 v49, v56;
	v56 =	vld [tilespmem:s11+$0x15450]  }
0x185: {  	v47 =	vadd.f32 v47, v48;
	v48 =	vadd.f32 v17, v16;
	v17 =	vld [tilespmem:s11+$0x154A0]  }
0x186: {  	v16 =	vadd.f32 v21, v20;
	v20 =	vld [tilespmem:s11+$0x154B0]  }
0x187: {  	v21 =	vadd.f32 v27, v26;
	v26 =	vld [tilespmem:s11+$0x154D0]  }
0x188: {  	v1 =	vadd.f32 v60, v1;
	v60 =	vld [tilespmem:s11+$0xF5E0]  }
0x189: {  	v0 =	vadd.f32 v61, v0;
	v61 =	vld [tilespmem:s11+$0x124F0]  }
0x18a: {  	v7 =	vadd.f32 v7, v46;
	v46 =	vld [tilespmem:s11+$0x15460]  }
0x18b: {  	v16 =	vadd.f32 v44, v16;
	v44 =	vld [tilespmem:$0x1FEC0]  }
0x18c: {  	[tilespmem:$0x1FED0] =	vst v4;
	v4 =	vld [tilespmem:s11+$0x12530]  }
0x18d: {  	v49 =	vadd.f32 v34, v49;
	v1 =	vadd.f32 v62, v1;
	v62 =	vld [tilespmem:s11+$0xF5F0]  }
0x18e: {  	v0 =	vadd.f32 v8, v0;
	v8 =	vld [tilespmem:s11+$0x9640]  }
0x18f: {  	v27 =	vadd.f32 v51, v49;
	v49 =	vld [tilespmem:s11+$0x183A0]  }
0x190: {  	v51 =	vld [tilespmem:s11+$0x183B0]  }
0x191: {  	v5 =	vadd.f32 v5, v6;
	[tilespmem:$0x1FEE0] =	vst v4;
	v4 =	vld [tilespmem:s11+$0x12540]  }
0x192: {  	[tilespmem:s11+$0x1B410] =	vst v1;
	v1 =	vld [tilespmem:s11+$0x15410]  }
0x193: {  	v7 =	vadd.f32 v36, v7;
	v5 =	vadd.f32 v37, v5;
	v37 =	vld [tilespmem:s11+$0x18400]  }
0x194: {  	[tilespmem:s11+$0x1B41C] =	vst v0;
	v0 =	vld [tilespmem:s11+$0x15400]  }
0x195: {  	v7 =	vadd.f32 v53, v7;
	v53 =	vld [tilespmem:s11+$0x183D0]  }
0x196: {  	[tilespmem:$0x1FEF0] =	vst v4;
	v4 =	vld [tilespmem:s11+$0x12550]  }
0x197: {  	v58 =	vadd.f32 v58, v21;
	v5 =	vadd.f32 v54, v5;
	v54 =	vld [tilespmem:s11+$0x183E0]  }
0x198: {  	v2 =	vadd.f32 v2, v7;
	v6 =	vadd.f32 v9, v8;
	v8 =	vld [tilespmem:s11+$0x15470]  }
0x199: {  	v9 =	vadd.f32 v11, v10;
	v10 =	vadd.f32 v13, v12;
	v11 =	vld [tilespmem:s11+$0x15480]  }
0x19a: {  	v12 =	vadd.f32 v15, v14;
	v14 =	vld [tilespmem:s11+$0x15490];
	v15 =	vadd.f32 v19, v18  }
0x19b: {  	v18 =	vadd.f32 v23, v22;
	v19 =	vadd.f32 v25, v24;
	[tilespmem:$0x1FF00] =	vst v4;
	v4 =	vld [tilespmem:s11+$0x12560]  }
0x19c: {  	v22 =	vadd.f32 v29, v28;
	v23 =	vld [tilespmem:s11+$0x154C0];
	v24 =	vadd.f32 v31, v30  }
0x19d: {  	v25 =	vadd.f32 v33, v32;
	v28 =	vadd.f32 v35, v47;
	v29 =	vld [tilespmem:s11+$0x154E0]  }
0x19e: {  	v30 =	vld [tilespmem:s11+$0x154F0];
	v13 =	vadd.f32 v42, v48;
	v3 =	vadd.f32 v3, v5  }
0x19f: {  	v31 =	vld [tilespmem:s11+$0x15500];
	v2 =	vadd.f32 v49, v2;
	v6 =	vadd.f32 v38, v6  }
0x1a0: {  	v9 =	vadd.f32 v39, v9;
	v10 =	vadd.f32 v40, v10;
	[tilespmem:$0x1FF10] =	vst v4;
	v4 =	vld [tilespmem:s11+$0x12570]  }
0x1a1: {  	v47 =	vld [tilespmem:s11+$0x18380];
	v12 =	vadd.f32 v41, v12;
	v15 =	vadd.f32 v43, v15  }
0x1a2: {  	v48 =	vld [tilespmem:s11+$0x18390];
	v28 =	vadd.f32 v52, v28;
	v0 =	vadd.f32 v0, v27  }
0x1a3: {  	v33 =	vld [tilespmem:s11+$0x183F0];
	v18 =	vadd.f32 v45, v18;
	v19 =	vadd.f32 v50, v19  }
0x1a4: {  	v34 =	vadd.f32 v60, v22;
	v3 =	vadd.f32 v51, v3;
	v41 =	vld [tilespmem:$0x1FEB0]  }
0x1a5: {  	v38 =	vadd.f32 v62, v24;
	v36 =	vadd.f32 v57, v9;
	[tilespmem:$0x1FF20] =	vst v4;
	v4 =	vld [tilespmem:s11+$0x12580]  }
0x1a6: {  	v43 =	vadd.f32 v63, v13;
	v1 =	vadd.f32 v1, v28;
	v50 =	vld [tilespmem:$0x1FF00]  }
0x1a7: {  	v0 =	vadd.f32 v47, v0;
	v47 =	vld [tilespmem:$0x1FEE0];
	v5 =	vadd.f32 v56, v36  }
0x1a8: {  	v51 =	vld [tilespmem:s11+$0x18450];
	v6 =	vadd.f32 v55, v6;
	v39 =	vadd.f32 v59, v10  }
0x1a9: {  	v12 =	vadd.f32 v61, v12;
	v5 =	vadd.f32 v53, v5;
	v53 =	vld [tilespmem:$0x1FF10]  }
0x1aa: {  	v13 =	vadd.f32 v44, v15;
	v1 =	vadd.f32 v48, v1;
	[tilespmem:$0x1FF30] =	vst v4;
	v4 =	vld [tilespmem:s11+$0x15440]  }
0x1ab: {  	v52 =	vld [tilespmem:s11+$0x183C0];
	v8 =	vadd.f32 v8, v12;
	[tilespmem:s11+$0x1B300] =	vst v0;
	v0 =	vadd.f32 v50, v58  }
0x1ac: {  	[tilespmem:s11+$0x1B330] =	vst v3;
	v3 =	vadd.f32 v41, v25;
	v12 =	vadd.f32 v47, v18;
	v57 =	vld [tilespmem:$0x1FF30]  }
0x1ad: {  	v55 =	vld [tilespmem:s11+$0x18460];
	v7 =	vadd.f32 v33, v8;
	v0 =	vadd.f32 v26, v0  }
0x1ae: {  	v40 =	vld [tilespmem:s11+$0x18410];
	[tilespmem:s11+$0x1B310] =	vst v1;
	v58 =	vadd.f32 v20, v12;
	v1 =	vadd.f32 v53, v34  }
0x1af: {  	v49 =	vld [tilespmem:$0x1FEF0];
	v0 =	vadd.f32 v51, v0;
	v4 =	vadd.f32 v4, v6  }
0x1b0: {  	[tilespmem:s11+$0x1B320] =	vst v2;
	v1 =	vadd.f32 v29, v1;
	v6 =	vadd.f32 v46, v39;
	v46 =	vld [tilespmem:$0x1FED0]  }
0x1b1: {  	v60 =	vld [tilespmem:s11+$0x18480];
	[tilespmem:s11+$0x1B350] =	vst v5;
	v3 =	vadd.f32 v57, v3;
	v4 =	vadd.f32 v52, v4  }
0x1b2: {  	[tilespmem:s11+$0x1B370] =	vst v7;
	v1 =	vadd.f32 v55, v1;
	v6 =	vadd.f32 v54, v6;
	v54 =	vld [tilespmem:$0x1FF20]  }
0x1b3: {  	v45 =	vld [tilespmem:s11+$0x18430];
	v52 =	vadd.f32 v14, v13;
	v3 =	vadd.f32 v31, v3;
	[tilespmem:s11+$0x1B340] =	vst v4  }
0x1b4: {  	v48 =	vld [tilespmem:s11+$0x18440];
	v4 =	vadd.f32 v11, v43;
	[tilespmem:s11+$0x1B360] =	vst v6;
	v6 =	vadd.f32 v49, v19  }
0x1b5: {  	v42 =	vld [tilespmem:s11+$0x18420];
	[tilespmem:s11+$0x1B3D0] =	vst v0;
	v56 =	vadd.f32 v40, v52;
	v5 =	vadd.f32 v46, v16  }
0x1b6: {  	v59 =	vld [tilespmem:s11+$0x18470];
	[tilespmem:s11+$0x1B3E0] =	vst v1;
	v63 =	vadd.f32 v60, v3;
	v4 =	vadd.f32 v37, v4  }
0x1b7: {  	v6 =	vadd.f32 v23, v6;
	[tilespmem:s11+$0x1B390] =	vst v56;
	v2 =	vadd.f32 v54, v38  }
0x1b8: {  	v5 =	vadd.f32 v17, v5;
	[tilespmem:s11+$0x1B380] =	vst v4;
	v4 =	vadd.f32 v45, v58  }
0x1b9: {  	[tilespmem:s11+$0x1B400] =	vst v63;
	v61 =	vadd.f32 v48, v6;
	v2 =	vadd.f32 v30, v2  }
0x1ba: {  	s20 =	sadd.s32 s4, s20;
	v5 =	vadd.f32 v42, v5;
	[tilespmem:s11+$0x1B3B0] =	vst v4  }
0x1bb: {  	s19 =	sadd.s32 $0x1, s19;
	s20 =	smul.u32 $0x26, s20;
	[tilespmem:s11+$0x1B3C0] =	vst v61;
	v62 =	vadd.f32 v59, v2  }
0x1bc: {  	p0 =	sne.s32 s19, $0xA0;
	[tilespmem:s11+$0x1B3A0] =	vst v5  }
.Ltmp1:
0x1bd: {  	s22 =	sadd.s32 s10, s20;
	[tilespmem:s11+$0x1B3F0] =	vst v62;
	(pc) =	sbr.rel @p0 .LBB2_2-.Ltmp1, $4  }
0x1be: {  	[hbm4b:s22+s3] =	stream.linear.scatter [tilespmem:s1], [sflag:$0x2], $0x2F80, $0x38;
	[tilespmem:$0x1E280] =	vst v63  }
0x1bf: {  	_ =	swait.ge [sflag:s0], $0x2F80  }
0x1c0: {  	[sflag:s0] =	ssyncset.done $0x0  }
0x1c1: {  	[sflag:s0] =	ssyncadd.s32 $0xFFFFD080  }
0x1c2: {  	s18 =	sadd.s32 $0x1, s18  }
0x1c3: {  	p0 =	sne.s32 s18, s17  }
.Ltmp2:
0x1c4: {  	_ = 	snop;
	(pc) =	sbr.rel @p0 .LBB2_1-.Ltmp2, $1  }
0x1c5: {  	_ =	sdelay $0x3  }
0x1c6: {  	_ =	sfence.sel $0x180000  }
0x1c7: {  	[bflag:$0x0] =	sbarrier.arrive $0xFFFF  }
0x1c8: {  	_ =	strace $0x90000047  }
0x1c9: {  	s0 =	stileid.u32;
	[bflag:$0x2] =	sbarrier.arrive $0xFFFF  }
0x1ca: {  	p0 =	sne.s32 s0, $0x0;
	s0 =	rddreg [dreg:$0x2]  }
0x1cb: {  	s0 =	sadd.s32 @!p0 $0x100000, s0  }
0x1cc: {  	[sflag:s0] =	ssyncadd.tile.s32 @!p0 $0x1;
	_ =	shalt  }
.Lfunc_end2:
_tile_overlayer_lowered:
.L_overlay_start_2:
0x1cd: {  	(tag) =	ssettag $0x2  }
0x1ce: {  	s0 =	rddreg [dreg:$0x0];
	s2 =	stileid.u32  }
0x1cf: {  	s1 =	rddreg [dreg:$0x1];
	p0 =	sne.s32 s2, $0x0  }
0x1d0: {  	s3 =	rddreg [dreg:$0x2];
	[bflag:$0x3] =	sbarrier.arrive $0xFFFF;
	s2 =	simm.s32 @!p0 $0x1C02  }
0x1d1: {  	[timem:s3], [sflag:s2] =	dma.local @!p0 [hbm:s0], s1  }
0x1d2: {  	s0 =	simm.s32 @!p0 $0x2  }
0x1d3: {  	_ =	swait.ge @!p0 [sflag:s0], s1  }
0x1d4: {  	s1 =	ssub.s32 @!p0 $0x0, s1;
	[sflag:s0] =	ssyncset.done @!p0 $0x0  }
0x1d5: {  	[sflag:s0] =	ssyncadd.s32 @!p0 s1  }
0x1d6: {  	[bflag:$0x3] =	sbarrier.arrive $0xFFFF  }
0x1d7: {  	_ =	shalt  }

// kernel: sparse-core-data-format-call.cloned.1.call-start
scs
called_computation_lowered:
.L_overlay_start_0:
0x0: {  	s2 =	sld [smem:$0x3FD9]  }
0x1: {  	s3 =	sld [smem:$0x3FFE];
	_ =	sdelay $0x1  }
0x2: {  	s1 =	srdreg.scid  }
0x3: {  	s0 =	sand.u32 $0x1, s1  }
0x4: {  	s18 =	sshll.u32 s0, $0xA;
	s2 =	sadd.s32 s3, s2  }
0x5: {  	s2 =	sadd.s32 s2, s18  }
0x6: {  	[smem:$0x3FBD] =	sst s2  }
0x7: {  	_ = 	snop  }
0x8: {  	s2 =	sld [smem:$0x3FD0];
	(tm) =	ssettm $0x1  }
0x9: {  	s19 =	sld [smem:$0x3FFB];
	_ =	sdelay $0x3  }
0xa: {  	_ =	strace s19  }
0xb: {  	s3 =	sld [smem:$0x3FFC];
	_ =	sdelay $0x3  }
0xc: {  	_ =	strace s3  }
0xd: {  	s3 =	sld [smem:$0x3FFD];
	_ =	sdelay $0x3  }
0xe: {  	_ =	strace s3  }
0xf: {  	_ =	strace $0x8FFFFFFF  }
0x10: {  	s20 =	sld [smem:$0x3FDB];
	_ =	sdelay $0x1  }
0x11: {  	s4 =	simm.s32 $_scs_section_size  }
0x12: {  	s5 =	simm.s32 $_size__tile_overlayer_lowered;
	s6 =	simm.s32 $_tile_overlayer_lowered  }
0x13: {  	s23 =	simm.s32 $0x1BFF;
	s22 =	sshll.u32 s6, $0x1;
	s3 =	sadd.s32 s4, s20  }
0x14: {  	s7 =	simm.s32 $0x0;
	s21 =	sshll.u32 s5, $0x1;
	s5 =	sadd.s32 s22, s3  }
0x15: {  	[timem:s7], [sflag:s23] =	dma.local [hbm:s5], s21  }
0x16: {  	_ =	swait.ge [sflag:s23], s21  }
0x17: {  	s4 =	ssub.s32 $0x0, s21;
	[sflag:s23] =	ssyncset.done $0x0  }
0x18: {  	[sflag:s23] =	ssyncadd.s32 s4;
	_ =	sdelay $0x1  }
0x19: {  	s24 =	simm.s32 $0x1B8B  }
0x1a: {  	_ =	swait.ge [sflag:s24], $0x1  }
0x1b: {  	[sflag:s24] =	ssyncset.done $0x0  }
0x1c: {  	s26 =	simm.s32 $0x1B8E;
	s25 =	sld [smem:$0x3FFE];
	[sflag:s24] =	ssyncadd.s32 $0xFFFFFFFF  }
0x1d: {  	s27 =	simm.s32 $execute0_lowered;
	[smem:$0x3FD2] =	sst s26  }
0x1e: {  	s5 =	sshll.u32 s27, $0x1;
	_ =	strace $0x80000049;
	[dreg:$0x1] =	wrdreg $0xFFFFFFFF  }
0x1f: {  	s28 =	simm.s32 $_size_execute0_lowered;
	s3 =	sadd.s32 s3, s5;
	[dreg:$0x0] =	wrdreg $0x0  }
0x20: {  	s5 =	sshll.u32 s28, $0x1;
	[dreg:$0x2] =	wrdreg s3  }
0x21: {  	[dreg:$0x3] =	wrdreg s5  }
0x22: {  	[dreg:$0x4] =	wrdreg $0xC0  }
0x23: {  	_ =	task [dreg:s7], $0x5FFFF  }
0x24: {  	[dreg:$0x1] =	wrdreg $0xFFFFFFFF  }
0x25: {  	[dreg:$0x0] =	wrdreg $0x60  }
0x26: {  	[dreg:$0x2] =	wrdreg s25  }
0x27: {  	[dreg:$0x3] =	wrdreg s2  }
0x28: {  	[dreg:$0x4] =	wrdreg $0x9  }
0x29: {  	_ =	task.clear_ibuf [dreg:s7], $0x5FFFF;
	_ =	strace $0x90000049  }
0x2a: {  	s29 =	simm.s32 $0x9;
	_ =	strace $0x8000004B  }
0x2b: {  	_ =	swait.ge [sflag:s29], $0x1  }
0x2c: {  	[sflag:s29] =	ssyncadd.s32 $0xFFFFFFFF  }
0x2d: {  	_ =	strace $0x9000004B  }
0x2e: {  	_ =	sfence  }
0x2f: {  	s30 =	sld [smem:$0x0];
	_ =	sdelay $0x2  }
0x30: {  	s31 =	sshll.u32 s1, $0xD;
	s1 =	sshrl.u32 s1, $0x2  }
0x31: {  	s3 =	sand.u32 $0x4000, s31;
	s1 =	sadd.s32 s1, s30  }
0x32: {  	s0 =	sor.u32 s3, s0;
	s1 =	sshll.u32 s1, $0x11  }
0x33: {  	s0 =	sor.u32 s1, s0  }
0x34: {  	s0 =	sadd.s32 $0x8F2B, s0  }
0x35: {  	[sflag:s0] =	ssyncadd.remote.s32 $0x1  }
0x36: {  	_ =	sfence.sel $0xFFFF  }
0x37: {  	[dreg:$0x0] =	wrdreg $0xFFFFFFFF;
	(pc) =	sbr.abs _section_cstart, $3  }
0x38: {  	[dreg:$0x1] =	wrdreg $0xFFFFFFFF  }
0x39: {  	_ =	task.clear_ibuf [dreg:s7], $0x2FFFF;
	_ =	strace $0x9FFFFFFF  }
0x3a: {  	(tm) =	ssettm $0x7FFFFFFF  }
0x3b: {  	_ =	shalt  }
tec
execute0_lowered:
.L_overlay_start_1:
0x0: {  	(tag) =	ssettag $0x1  }
0x1: {  	s4 =	rddreg [dreg:$0x0]  }
0x2: {  	s0 =	stileid.u32;
	s2 =	rddreg [dreg:$0x1]  }
0x3: {  	s7 =	srdreg.scid;
	s8 =	simm.s32 $0x2;
	s17 =	simm.s32 $0x0  }
0x4: {  	s9 =	simm.s32 $0x32000;
	s19 =	simm.s32 $0x0;
	s18 =	simm.s32 $0x0  }
0x5: {  	s10 =	simm.s32 $0x0;
	s11 =	simm.s32 $0x0;
	s1 =	sshll.u32 s0, $0x7  }
0x6: {  	s12 =	simm.s32 $0x0;
	s13 =	simm.s32 $0x0;
	s3 =	sand.u32 $0x380, s1  }
0x7: {  	s16 =	simm.s32 $0x0;
	s7 =	sshll.u32 s7, $0x4;
	s5 =	ssub.s32 $0x400, s3  }
0x8: {  	s4 =	sadd.s32 $0x799A00, s4;
	s1 =	rddreg [dreg:$0x2];
	s6 =	sand.u32 $0x380, s5  }
0x9: {  	s7 =	sand.u32 $0x10, s7;
	p0 =	sne.s32 s6, $0x0;
	s6 =	simm.s32 $0x1  }
.Ltmp0:
0xa: {  	s5 =	sshrl.u32 s5, $0xA;
	s6 =	simm.s32 @!p0 $0x0;
	(pc) =	sbr.rel .LBB1_1-.Ltmp0, $4  }
0xb: {  	_ =	strace $0x8000004A;
	s7 =	sor.u32 s0, s7;
	s6 =	sadd.s32 s6, s5  }
0xc: {  	s7 =	sshrl.u32 s7, $0x3;
	s5 =	simm.s32 $0x1;
	s6 =	smul.u32 $0x96, s6  }
0xd: {  	s15 =	smov.u32 s3;
	s14 =	smov.u32 s7;
	[sflag:s5] =	ssyncpa.u1 $0x0  }
0xe: {  	p0 =	por $0x0, $0x0;
	[sflag:s8] =	ssyncpa.u1 $0x0;
	s8 =	sor.u32 $0x1, s6  }
.LBB1_4:
0xf: {  	s25 =	sshll.u32 s11, $0xA;
	s26 =	sshll.u32 s12, $0x3;
	s24 =	sshra.s32 s24, $0x2  }
0x10: {  	p1 =	sgt.s32 s10, $0xAC;
	s27 =	sshra.s32 s11, $0x1F;
	s28 =	sshra.s32 s10, $0x1F  }
0x11: {  	s29 =	sshra.s32 s12, $0x1F;
	s25 =	sand.u32 $0xFFFFE000, s25;
	s26 =	sand.u32 $0xFFFFFC00, s26  }
0x12: {  	s23 =	sadd.s32 s24, s23;
	s27 =	sand.u32 s27, s11;
	s25 =	sadd.s32 s26, s25  }
0x13: {  	s28 =	sand.u32 s28, s10;
	s24 =	sshrl.u32 s25, $0xA;
	s25 =	smov.u32 s10  }
0x14: {  	s26 =	smov.u32 s11;
	s25 =	simm.s32 @!p1 $0xAC;
	p1 =	sgt.s32 s11, $0xC7  }
0x15: {  	[tilespmem:s22+$0x2040 ss:$0x81] =	vst.msk $0xffff, v4;
	s29 =	sand.u32 s29, s12;
	s30 =	smulhi.u32 $0x147AE15, s24;
	s26 =	simm.s32 @!p1 $0xC7  }
0x16: {  	v5 =	vld [tilespmem:s21+$0xFFFFFFD0];
	[tilespmem:s22+$0x2850 ss:$0x81] =	vst.msk $0xffff, v3;
	p1 =	sgt.s32 s12, $0x380;
	s25 =	ssub.s32 s25, s28;
	s26 =	ssub.s32 s26, s27  }
0x17: {  	v58 =	vld [tilespmem:s21+$0xFFFFFFE0];
	[tilespmem:s22+$0x3060 ss:$0x81] =	vst.msk $0xffff, v2;
	s27 =	smov.u32 s12;
	s28 =	sadd.s32 $0xFFFFFF54, s25;
	s25 =	ssub.s32 $0x12C, s25  }
0x18: {  	v59 =	vld [tilespmem:s21+$0xFFFFFFF0];
	[tilespmem:s22+$0x0 ss:$0x81] =	vst.msk $0xffff, v1;
	s27 =	simm.s32 @!p1 $0x380;
	s31 =	sadd.s32 $0xFFFFFF39, s26;
	s22 =	ssub.s32 $0xC8, s26  }
0x19: {  	v60 =	vld [tilespmem:s21+$0x0];
	s27 =	ssub.s32 s27, s29;
	p1 =	sgt.s32 s31, $0x0;
	s29 =	smul.u32 $0xC8, s30  }
0x1a: {  	v61 =	vld [tilespmem:s21+$0x10];
	[tilespmem:s23+$0x3870 ss:$0x81] =	vst.msk $0xffff, v0;
	s30 =	sshll.u32 s11, $0x7;
	s31 =	sadd.s32 $0xFFFFFC80, s27;
	s26 =	ssub.s32 $0x400, s27  }
0x1b: {  	v62 =	vld [tilespmem:s21+$0x20];
	[tilespmem:s23+$0x810 ss:$0x81] =	vst.msk $0xffff, v5;
	s22 =	simm.s32 @p1 $0x0;
	p1 =	sgt.s32 s28, $0x7F;
	p2 =	sgt.s32 s31, $0x7F  }
0x1c: {  	v63 =	vld [tilespmem:s21+$0xFFFFFFC0];
	[tilespmem:s23+$0x1020 ss:$0x81] =	vst.msk $0xffff, v58;
	s27 =	sand.u32 $0x78, s12;
	s31 =	smul.u32 $0x6400, s10;
	s26 =	simm.s32 @p2 $0x0  }
0x1d: {  	[tilespmem:s23+$0x1830 ss:$0x81] =	vst.msk $0xffff, v59;
	s21 =	sand.u32 $0x380, s30;
	s25 =	simm.s32 @p1 $0x0;
	s22 =	smul.u32 s26, s22  }
0x1e: {  	[tilespmem:s23+$0x2040 ss:$0x81] =	vst.msk $0xffff, v60;
	s21 =	sor.u32 s27, s21;
	s24 =	ssub.s32 s24, s29;
	s29 =	sand.u32 $0x7, s12  }
0x1f: {  	[tilespmem:s23+$0x2850 ss:$0x81] =	vst.msk $0xffff, v61;
	s21 =	sshrl.u32 s21, $0x3;
	s28 =	sadd.s32 s2, s31;
	s22 =	smul.u32 s25, s22  }
0x20: {  	[tilespmem:s23+$0x3060 ss:$0x81] =	vst.msk $0xffff, v62;
	s24 =	sshll.u32 s24, $0x7;
	s30 =	sshll.u32 s29, $0x12;
	s21 =	sadd.s32 s21, s28  }
0x21: {  	[tilespmem:s23+$0x0 ss:$0x81] =	vst.msk $0xffff, v63;
	s31 =	sor.u32 $0x80, s30;
	s21 =	sadd.s32 s24, s21;
	s22 =	sand.u32 $0x3FFFFFFF, s22  }
0x22: {  	[hbm4b:s21+s31] =	stream.strided.scatter [tilespmem:s20], [sflag:$0x2], s22, s9, s31, $0x20;
	[tilespmem:$0x10100] =	vst v63  }
.LBB1_5:
0x23: {  	p1 =	slt.u32 s16, $0x2;
	s21 =	smov.u32 s19  }
0x24: {  	p2 =	sgt.s32 @!p1 s17, $0xAC;
	s20 =	sshra.s32 @!p1 s17, $0x1F;
	p3 =	sgt.s32 @!p1 s19, $0xC7  }
0x25: {  	s22 =	sshra.s32 @!p1 s19, $0x1F;
	p2 =	por !p2, p1;
	s20 =	sand.u32 @!p1 s20, s17  }
0x26: {  	p3 =	por !p3, p1;
	s19 =	sand.u32 @!p1 s22, s19;
	s22 =	sshra.s32 @!p1 s18, $0x1F  }
0x27: {  	s21 =	simm.s32 @p3 $0xC7;
	p3 =	sgt.s32 @!p1 s18, $0x380;
	s17 =	simm.s32 @p2 $0xAC  }
0x28: {  	s19 =	ssub.s32 @!p1 s21, s19;
	p3 =	por !p3, p1;
	s21 =	smov.u32 s18  }
0x29: {  	s18 =	sand.u32 @!p1 s22, s18;
	s17 =	ssub.s32 @!p1 s17, s20;
	s21 =	simm.s32 @p3 $0x380  }
0x2a: {  	s20 =	sadd.s32 @!p1 $0xFFFFFF39, s19;
	s19 =	ssub.s32 @!p1 $0xC8, s19;
	s18 =	ssub.s32 @!p1 s21, s18  }
0x2b: {  	s21 =	sadd.s32 @!p1 $0xFFFFFF54, s17;
	p2 =	sgt.s32 @!p1 s20, $0x0;
	s20 =	sadd.s32 @!p1 $0xFFFFFC80, s18  }
0x2c: {  	s17 =	ssub.s32 @!p1 $0x12C, s17;
	p2 =	por !p2, p1;
	p3 =	sgt.s32 @!p1 s20, $0x7F  }
0x2d: {  	s18 =	ssub.s32 @!p1 $0x400, s18;
	s19 =	simm.s32 @!p2 $0x0;
	p2 =	por !p3, p1  }
0x2e: {  	s20 =	sadd.s32 $0x80, s13;
	p3 =	sgt.s32 @!p1 s21, $0x7F;
	s18 =	simm.s32 @!p2 $0x0  }
0x2f: {  	s21 =	smov.u32 s14;
	p2 =	por !p3, p1;
	s18 =	smul.u32 @!p1 s18, s19  }
0x30: {  	s17 =	simm.s32 @!p2 $0x0;
	p2 =	sgt.s32 s20, $0x12B;
	s19 =	sadd.s32 $0x4, s14  }
0x31: {  	s22 =	smov.u32 s15;
	s21 =	smov.u32 @p2 s19  }
0x32: {  	s17 =	smul.u32 @!p1 s17, s18;
	p3 =	sgt.s32 s21, $0xC7;
	s18 =	sadd.s32 $0x400, s15  }
0x33: {  	p0 =	por !p0, !p0;
	s23 =	simm.s32 @!p1 $0x2;
	s22 =	smov.u32 @p3 s18  }
0x34: {  	s20 =	simm.s32 @p2 $0x0;
	s19 =	smov.u32 s11;
	p2 =	sgt.s32 s22, $0x3FF  }
0x35: {  	s11 =	smov.u32 s14;
	s22 =	smov.u32 @p2 s3;
	p2 =	sne.s32 s16, s8  }
.Ltmp1:
0x36: {  	s21 =	smov.u32 @p3 s7;
	s18 =	smov.u32 s12;
	(pc) =	sbr.rel @!p2 .LBB1_6-.Ltmp1, $4  }
0x37: {  	s12 =	smov.u32 s15;
	s17 =	sand.u32 @!p1 $0x3FFFFFFF, s17;
	s14 =	smov.u32 s21  }
0x38: {  	_ =	swait.ge @!p1 [sflag:s23], s17;
	s24 =	ssub.s32 @!p1 $0x0, s17;
	s17 =	smov.u32 s10  }
0x39: {  	s16 =	sadd.s32 $0x1, s16;
	s10 =	smov.u32 s13;
	[sflag:s23] =	ssyncset.done @!p1 $0x0  }
0x3a: {  	s13 =	smov.u32 s20;
	s15 =	smov.u32 s22;
	[sflag:s23] =	ssyncadd.s32 @!p1 s24  }
.LBB1_1:
0x3b: {  	p1 =	sge.u32 s16, s6  }
0x3c: {  	s20 =	sshrl.u32 @!p1 s14, $0x3  }
0x3d: {  	s21 =	sshll.u32 @!p1 s13, $0x3;
	s20 =	smul.u32 @!p1 $0xC00, s20  }
0x3e: {  	s22 =	sshll.u32 @!p1 s14, $0x7;
	s21 =	sand.u32 @!p1 $0xFFFFFC00, s21  }
0x3f: {  	s20 =	sadd.s32 @!p1 s20, s21;
	s21 =	sand.u32 @!p1 $0x380, s22  }
0x40: {  	s20 =	sor.u32 @!p1 s21, s20  }
0x41: {  	s21 =	sand.u32 @!p1 $0x7F, s13;
	s22 =	smulhi.u32 @!p1 $0xAAAAAAAB, s20  }
0x42: {  	s20 =	sor.u32 @!p1 s21, s20  }
0x43: {  	s21 =	smulhi.u32 @!p1 $0xAAAAAAAB, s20;
	s22 =	sshrl.u32 @!p1 s22, $0x8  }
0x44: {  	s23 =	smulhi.u32 @!p1 $0x147AE15, s22;
	_ =	sdelay $0x1  }
0x45: {  	s21 =	sshrl.u32 @!p1 s21, $0x8;
	s23 =	smul.u32 @!p1 $0xC8, s23  }
0x46: {  	s31 =	sadd.s32 $0xFFFFFFFF, s16;
	s21 =	smul.u32 @!p1 $0x180, s21  }
0x47: {  	s24 =	sxor.u32 @!p1 $0xFFFFFFFF, s16;
	s22 =	ssub.s32 @!p1 s22, s23;
	s23 =	smul.u32 @!p1 $0x2580, s15  }
0x48: {  	s24 =	sshll.u32 @!p1 s24, $0xE;
	s20 =	ssub.s32 @!p1 s20, s21;
	s21 =	smul.u32 @!p1 $0x30, s22  }
0x49: {  	s22 =	sand.u32 @!p1 $0x4000, s24;
	s24 =	sand.u32 @!p1 $0x7, s20;
	s23 =	sadd.s32 @!p1 s4, s23  }
0x4a: {  	s20 =	sshrl.u32 @!p1 s20, $0x3;
	s21 =	sadd.s32 @!p1 s21, s23;
	s23 =	sshll.u32 @!p1 s24, $0x12  }
0x4b: {  	s20 =	sadd.s32 @!p1 s20, s21;
	s21 =	sor.u32 @!p1 $0x80, s23;
	s23 =	simm.s32 @!p1 $0x12C00  }
0x4c: {  	[tilespmem:s22], [sflag:$0x1] =	stream.strided.gather @!p1 [hbm4b:s20+s21], $0x4000, s23, s21, $0x38;
	[tilespmem:$0x10100] =	vst v63  }
0x4d: {  	p1 =	sge.u32 s31, s6  }
.Ltmp2:
0x4e: {  	_ = 	snop;
	(pc) =	sbr.rel @p1 .LBB1_5-.Ltmp2, $1  }
0x4f: {  	_ =	sdelay $0x3  }
0x50: {  	s20 =	simm.s32 $0x1  }
0x51: {  	_ =	swait.ge [sflag:s5], $0x4000;
	s20 =	simm.s32 @!p0 $0x0  }
0x52: {  	[sflag:s5] =	ssyncset.done $0x0;
	s21 =	sshll.u32 s20, $0xE  }
0x53: {  	[sflag:s5] =	ssyncadd.s32 $0xFFFFC000;
	s21 =	sor.u32 $0x40, s21  }
0x54: {  	s20 =	smul.u32 $0x10200, s20;
	v0 =	vld [tilespmem:s21+$0x30]  }
0x55: {  	v1 =	vld [tilespmem:s21+$0xFFFFFFD0]  }
0x56: {  	s20 =	sshrl.u32 s20, $0x2;
	v5 =	vld [tilespmem:s21+$0xFFFFFFE0]  }
0x57: {  	v6 =	vld [tilespmem:s21+$0xFFFFFFF0];
	s23 =	sor.u32 $0x8000, s20  }
0x58: {  	s31 =	sand.u32 $0x1, s16;
	v4 =	vld [tilespmem:s21+$0x0];
	s22 =	sadd.s32 $0x0, s23  }
0x59: {  	v3 =	vld [tilespmem:s21+$0x10];
	s20 =	smul.u32 $0x10200, s31;
	[tilespmem:s22+$0x3870 ss:$0x81] =	vst.msk $0xffff, v0  }
0x5a: {  	v2 =	vld [tilespmem:s21+$0x20];
	[tilespmem:s22+$0x810 ss:$0x81] =	vst.msk $0xffff, v1  }
0x5b: {  	s20 =	sshrl.u32 s20, $0x2;
	v1 =	vld [tilespmem:s21+$0xFFFFFFC0];
	[tilespmem:s22+$0x1020 ss:$0x81] =	vst.msk $0xffff, v5;
	s21 =	sadd.s32 $0x80, s21  }
0x5c: {  	s24 =	simm.s32 $0x4;
	s25 =	simm.s32 $0x8;
	s20 =	sor.u32 $0x8000, s20;
	[tilespmem:s22+$0x1830 ss:$0x81] =	vst.msk $0xffff, v6;
	v0 =	vld [tilespmem:s21+$0x30]  }
.LBB1_3:
0x5d: {  	p1 =	sne.s32 s25, $0x1FC;
	v5 =	vld [tilespmem:s21+$0xFFFFFFD0];
	[tilespmem:s22+$0x2040 ss:$0x81] =	vst.msk $0xffff, v4  }
0x5e: {  	v6 =	vld [tilespmem:s21+$0xFFFFFFE0];
	[tilespmem:s22+$0x2850 ss:$0x81] =	vst.msk $0xffff, v3  }
0x5f: {  	s26 =	sshra.s32 s24, $0x2;
	s24 =	smov.u32 s25;
	v7 =	vld [tilespmem:s21+$0xFFFFFFF0];
	[tilespmem:s22+$0x3060 ss:$0x81] =	vst.msk $0xffff, v2  }
.Ltmp3:
0x60: {  	v4 =	vld [tilespmem:s21+$0x0];
	[tilespmem:s22+$0x0 ss:$0x81] =	vst.msk $0xffff, v1;
	s22 =	sadd.s32 s26, s23;
	(pc) =	sbr.rel @p1 .LBB1_3-.Ltmp3, $4  }
0x61: {  	v3 =	vld [tilespmem:s21+$0x10];
	[tilespmem:s22+$0x3870 ss:$0x81] =	vst.msk $0xffff, v0  }
0x62: {  	[tilespmem:s22+$0x810 ss:$0x81] =	vst.msk $0xffff, v5;
	v2 =	vld [tilespmem:s21+$0x20]  }
0x63: {  	v1 =	vld [tilespmem:s21+$0xFFFFFFC0];
	[tilespmem:s22+$0x1020 ss:$0x81] =	vst.msk $0xffff, v6;
	s21 =	sadd.s32 $0x80, s21  }
0x64: {  	s25 =	sadd.s32 $0x4, s25;
	v0 =	vld [tilespmem:s21+$0x30];
	[tilespmem:s22+$0x1830 ss:$0x81] =	vst.msk $0xffff, v7  }
.Ltmp4:
0x65: {  	_ = 	snop;
	(pc) =	sbr.rel .LBB1_4-.Ltmp4, $1  }
0x66: {  	_ =	sdelay $0x3  }
.LBB1_6:
0x67: {  	_ =	sfence.sel $0x180000  }
0x68: {  	s2 =	simm.s32 $0x1;
	[bflag:$0x0] =	sbarrier.arrive $0xFFFF  }
0x69: {  	s31 =	simm.s32 $0x2;
	[sflag:s2] =	ssyncpa.u1 $0x1  }
0x6a: {  	[sflag:s31] =	ssyncpa.u1 $0x1  }
0x6b: {  	p0 =	sne.s32 s0, $0x0;
	_ =	strace $0x9000004A  }
0x6c: {  	s0 =	sadd.s32 @!p0 $0x100000, s1;
	[bflag:$0x2] =	sbarrier.arrive $0xFFFF  }
0x6d: {  	[sflag:s0] =	ssyncadd.tile.s32 @!p0 $0x1;
	_ =	shalt  }
.Lfunc_end1:
_tile_overlayer_lowered:
.L_overlay_start_2:
0x6e: {  	(tag) =	ssettag $0x2  }
0x6f: {  	s0 =	rddreg [dreg:$0x0];
	s2 =	stileid.u32  }
0x70: {  	s1 =	rddreg [dreg:$0x1];
	p0 =	sne.s32 s2, $0x0  }
0x71: {  	s3 =	rddreg [dreg:$0x2];
	[bflag:$0x3] =	sbarrier.arrive $0xFFFF;
	s2 =	simm.s32 @!p0 $0x1C01  }
0x72: {  	[timem:s3], [sflag:s2] =	dma.local @!p0 [hbm:s0], s1  }
0x73: {  	s0 =	simm.s32 @!p0 $0x1  }
0x74: {  	_ =	swait.ge @!p0 [sflag:s0], s1  }
0x75: {  	s1 =	ssub.s32 @!p0 $0x0, s1;
	[sflag:s0] =	ssyncset.done @!p0 $0x0  }
0x76: {  	[sflag:s0] =	ssyncadd.s32 @!p0 s1  }
0x77: {  	[bflag:$0x3] =	sbarrier.arrive $0xFFFF  }
0x78: {  	_ =	shalt  }

</sc_bundles>
